<compile_context>
chip_gen: v7x
topology: tpu7x:2x2x1
jax: 0.10.2.dev20260603
libtpu: 0.0.44.dev20260713+nightly
codegen_flags: <defaults>
</compile_context>

<pallas_src>
import functools
import jax
import jax.numpy as jnp
from jax import lax
from jax.experimental import pallas as pl
from jax.experimental.pallas import tpu as pltpu
from jax.experimental.pallas import tpu_sc as plsc

BS = 128
NUM_EXPERTS = 64
TOP_K = 8
PROMPT_LEN = 64
D_MODEL = 1024
PB = 16

NUM_CORES = 2
NUM_SUBCORES = 16
NUM_WORKERS = NUM_CORES * NUM_SUBCORES
TOK_PER_W = BS // NUM_WORKERS
IDX_PER_W = TOK_PER_W * TOP_K


def _w_routing_body(score_hbm, idxf_hbm, eids_hbm, w_hbm,
                    idx_v, score_v, eids_v, w_v):
    wid = lax.axis_index("s") * NUM_CORES + lax.axis_index("c")
    base = wid * TOK_PER_W
    pltpu.sync_copy(idxf_hbm.at[pl.ds(wid * IDX_PER_W, IDX_PER_W)], idx_v)
    pltpu.sync_copy(score_hbm.at[pl.ds(base, TOK_PER_W)], score_v)
    pltpu.sync_copy(eids_hbm, eids_v)

    e_chunks = [eids_v[pl.ds(16 * c, 16)] for c in range(NUM_EXPERTS // 16)]
    idx_vecs = [idx_v[pl.ds(16 * j, 16)] for j in range(IDX_PER_W // 16)]
    one = jnp.full((16,), 1.0, jnp.float32)
    zero = jnp.zeros((16,), jnp.float32)
    for r in range(TOK_PER_W):
        picks = []
        for k in range(TOP_K):
            pos = r * TOP_K + k
            s = idx_vecs[pos // 16][pos % 16]
            picks.append(jnp.full((16,), s, jnp.float32))
        for c in range(NUM_EXPERTS // 16):
            cnt = zero
            for p in picks:
                d = p - e_chunks[c]
                cnt += jnp.maximum(one - d * d, zero)
            off = 16 * c
            w_v[r, pl.ds(off, 16)] = cnt * score_v[r, pl.ds(off, 16)]

    pltpu.sync_copy(w_v, w_hbm.at[pl.ds(base, TOK_PER_W)])


_w_routing = functools.partial(
    pl.kernel,
    mesh=plsc.VectorSubcoreMesh(core_axis_name="c", subcore_axis_name="s"),
    out_type=jax.ShapeDtypeStruct((BS, NUM_EXPERTS), jnp.float32),
    scratch_types=[
        pltpu.VMEM((IDX_PER_W,), jnp.float32),
        pltpu.VMEM((TOK_PER_W, NUM_EXPERTS), jnp.float32),
        pltpu.VMEM((NUM_EXPERTS,), jnp.float32),
        pltpu.VMEM((TOK_PER_W, NUM_EXPERTS), jnp.float32),
    ],
)(_w_routing_body)


def _moe_kernel(w_in_ref, experts_ref, out_ref):
    w = w_in_ref[...]
    xt = jnp.transpose(experts_ref[...], (1, 0, 2))
    outs = [jnp.dot(w, xt[p], preferred_element_type=jnp.float32)
            for p in range(PB)]
    out_ref[...] = jnp.transpose(jnp.stack(outs, axis=0), (1, 0, 2))


def kernel(selection_score, expert_indices, experts):
    idxf_flat = expert_indices.astype(jnp.float32).reshape(-1)
    eids = jnp.arange(NUM_EXPERTS, dtype=jnp.float32)
    w = _w_routing(selection_score, idxf_flat, eids)
    out = pl.pallas_call(
        _moe_kernel,
        grid=(PROMPT_LEN // PB,),
        in_specs=[
            pl.BlockSpec((BS, NUM_EXPERTS), lambda j: (0, 0)),
            pl.BlockSpec((NUM_EXPERTS, PB, D_MODEL), lambda j: (0, j, 0)),
        ],
        out_specs=pl.BlockSpec((BS, PB, D_MODEL), lambda j: (0, j, 0)),
        out_shape=jax.ShapeDtypeStruct((BS, PROMPT_LEN, D_MODEL), jnp.float32),
    )(w, experts)
    return out

# --- scband reference (transcript-rebuilt; emitter-appended) ---
"""Pipeline reference for scband-mixture-experts-64390149701863 (READ-ONLY COPY).

The authoritative reference and input builder live on the scoring server;
editing this copy changes nothing except your own understanding.
"""

import jax, jax.numpy as jnp
import numpy as np

BS = 128
NUM_EXPERTS = 64
TOP_K = 8
PROMPT_LEN = 64
D_MODEL = 1024


def setup_inputs(seed: int = 0) -> dict:
    key = jax.random.key(seed)
    k1, k2, k3 = jax.random.split(key, 3)
    selection_score = jax.random.normal(k1, (BS, NUM_EXPERTS), dtype=jnp.float32)
    expert_indices = jax.random.randint(k2, (BS, TOP_K), 0, NUM_EXPERTS, dtype=jnp.int64 if jax.config.jax_enable_x64 else jnp.int32)
    # Learned parameters: ParameterList of num_experts experts, each [1, PROMPT_LEN, D_MODEL];
    # all_experts() concatenates along dim 0 -> [NUM_EXPERTS, PROMPT_LEN, D_MODEL]
    experts = jax.random.normal(k3, (NUM_EXPERTS, PROMPT_LEN, D_MODEL), dtype=jnp.float32) * 0.02
    return {"selection_score": selection_score, "expert_indices": expert_indices, "experts": experts}


def reference(selection_score, expert_indices, experts):
    # all_weight = torch.cat([e for e in experts])  -> experts is already the stacked bank
    all_weight = experts  # [E, P, D]
    # expert_prompt = all_weight[expert_indices]  -> gather rows of expert bank
    expert_prompt = jnp.take(all_weight, expert_indices, axis=0)  # [bs, k, P, D]
    # expert_scores = torch.gather(selection_score, 1, expert_indices)
    expert_scores = jnp.take_along_axis(selection_score, expert_indices, axis=1)  # [bs, k]
    # mixture = (scores[..., None, None] * prompts).sum(dim=1)
    mixture_prompt = expert_scores[:, :, None, None] * expert_prompt  # [bs, k, P, D]
    mixture_prompt = jnp.sum(mixture_prompt, axis=1)  # [bs, P, D]
    return mixture_prompt

if __name__ == "__main__":
    import jax
    _d = setup_inputs()
    print(jax.jit(kernel)(*tuple(_d.values())))

</pallas_src>

<mosaic_0001>
#map = affine_map<(d0, d1) -> (0, 0)>
#map1 = affine_map<(d0, d1) -> (0)>
module attributes {stable_mosaic.version = 14 : i64} {
  func.func @_w_routing_body(%arg0: i32, %arg1: i32, %arg2: memref<128x64xf32, #tpu.memory_space<hbm>>, %arg3: memref<1024xf32, #tpu.memory_space<hbm>>, %arg4: memref<64xf32, #tpu.memory_space<hbm>>, %arg5: memref<128x64xf32, #tpu.memory_space<hbm>>, %arg6: memref<32xf32, #tpu.memory_space<vmem>>, %arg7: memref<4x64xf32, #tpu.memory_space<vmem>>, %arg8: memref<64xf32, #tpu.memory_space<vmem>>, %arg9: memref<4x64xf32, #tpu.memory_space<vmem>>) attributes {dimension_semantics = [#tpu.dimension_semantics<core_parallel>, #tpu.dimension_semantics<subcore_parallel>], iteration_bounds = array<i64: 2, 16>, scalar_prefetch = 0 : i64, scratch_operands = 4 : i64, tpu.core_type = #tpu.core_type<sc_vector_subcore>, window_params = [{transform_indices = #map}, {transform_indices = #map1}, {transform_indices = #map1}, {transform_indices = #map}]} {
    %mul3A = arith.constant 2 : i32
    %mul3A_0 = arith.muli %arg1, %mul3A : i32
    %add3A = arith.addi %mul3A_0, %arg0 : i32
    %mul3A_1 = arith.constant 4 : i32
    %mul3A_2 = arith.muli %add3A, %mul3A_1 : i32
    %mul3A_3 = arith.constant 32 : i32
    %mul3A_4 = arith.muli %add3A, %mul3A_3 : i32
    "tpu.region"() ({
      %run_scoped3A = tpu.sem_alloc : memref<!tpu.dma_semaphore, #tpu.memory_space<semaphore_mem>>
      %dma_start3A = tpu.memref_slice %arg3[%mul3A_4] : memref<1024xf32, #tpu.memory_space<hbm>> -> memref<32xf32, #tpu.memory_space<hbm>>
      %dma_start3A_948 = tpu.memref_slice %arg3[%mul3A_4] : memref<1024xf32, #tpu.memory_space<hbm>> -> memref<32xf32, #tpu.memory_space<hbm>>
      tpu.enqueue_dma source(%dma_start3A_948 : memref<32xf32, #tpu.memory_space<hbm>>) target(%arg6 : memref<32xf32, #tpu.memory_space<vmem>>) target_semaphore(%run_scoped3A : memref<!tpu.dma_semaphore, #tpu.memory_space<semaphore_mem>>)
      %dma_wait3A = tpu.memref_slice %arg3[%mul3A_4] : memref<1024xf32, #tpu.memory_space<hbm>> -> memref<32xf32, #tpu.memory_space<hbm>>
      %dma_wait3A_949 = tpu.memref_slice %arg3[%mul3A_4] : memref<1024xf32, #tpu.memory_space<hbm>> -> memref<32xf32, #tpu.memory_space<hbm>>
      tpu.wait_dma2 semaphore(%run_scoped3A : memref<!tpu.dma_semaphore, #tpu.memory_space<semaphore_mem>>) src(%dma_wait3A_949 : memref<32xf32, #tpu.memory_space<hbm>>) dst(%arg6 : memref<32xf32, #tpu.memory_space<vmem>>)
      tpu.yield
    }) : () -> ()
    "tpu.region"() ({
      %run_scoped3A = tpu.sem_alloc : memref<!tpu.dma_semaphore, #tpu.memory_space<semaphore_mem>>
      %dma_start3A = arith.constant 0 : i32
      %dma_start3A_948 = tpu.memref_slice %arg2[%mul3A_2, %dma_start3A] : memref<128x64xf32, #tpu.memory_space<hbm>> -> memref<4x64xf32, #tpu.memory_space<hbm>>
      %dma_start3A_949 = arith.constant 0 : i32
      %dma_start3A_950 = tpu.memref_slice %arg2[%mul3A_2, %dma_start3A_949] : memref<128x64xf32, #tpu.memory_space<hbm>> -> memref<4x64xf32, #tpu.memory_space<hbm>>
      tpu.enqueue_dma source(%dma_start3A_950 : memref<4x64xf32, #tpu.memory_space<hbm>>) target(%arg7 : memref<4x64xf32, #tpu.memory_space<vmem>>) target_semaphore(%run_scoped3A : memref<!tpu.dma_semaphore, #tpu.memory_space<semaphore_mem>>)
      %dma_wait3A = arith.constant 0 : i32
      %dma_wait3A_951 = tpu.memref_slice %arg2[%mul3A_2, %dma_wait3A] : memref<128x64xf32, #tpu.memory_space<hbm>> -> memref<4x64xf32, #tpu.memory_space<hbm>>
      %dma_wait3A_952 = arith.constant 0 : i32
      %dma_wait3A_953 = tpu.memref_slice %arg2[%mul3A_2, %dma_wait3A_952] : memref<128x64xf32, #tpu.memory_space<hbm>> -> memref<4x64xf32, #tpu.memory_space<hbm>>
      tpu.wait_dma2 semaphore(%run_scoped3A : memref<!tpu.dma_semaphore, #tpu.memory_space<semaphore_mem>>) src(%dma_wait3A_953 : memref<4x64xf32, #tpu.memory_space<hbm>>) dst(%arg7 : memref<4x64xf32, #tpu.memory_space<vmem>>)
      tpu.yield
    }) : () -> ()
    "tpu.region"() ({
      %run_scoped3A = tpu.sem_alloc : memref<!tpu.dma_semaphore, #tpu.memory_space<semaphore_mem>>
      tpu.enqueue_dma source(%arg4 : memref<64xf32, #tpu.memory_space<hbm>>) target(%arg8 : memref<64xf32, #tpu.memory_space<vmem>>) target_semaphore(%run_scoped3A : memref<!tpu.dma_semaphore, #tpu.memory_space<semaphore_mem>>)
      tpu.wait_dma2 semaphore(%run_scoped3A : memref<!tpu.dma_semaphore, #tpu.memory_space<semaphore_mem>>) src(%arg4 : memref<64xf32, #tpu.memory_space<hbm>>) dst(%arg8 : memref<64xf32, #tpu.memory_space<vmem>>)
      tpu.yield
    }) : () -> ()
    %get3A = arith.constant 0 : index
    %get3A_5 = tpu.vector_load %arg8[%get3A] {strides = array<i32>} : memref<64xf32, #tpu.memory_space<vmem>>, vector<16xf32>,
    %get3A_6 = vector.shape_cast %get3A_5 : vector<16xf32> to vector<16xf32>
    %get3A_7 = arith.constant 16 : index
    %get3A_8 = tpu.vector_load %arg8[%get3A_7] {strides = array<i32>} : memref<64xf32, #tpu.memory_space<vmem>>, vector<16xf32>,
    %get3A_9 = vector.shape_cast %get3A_8 : vector<16xf32> to vector<16xf32>
    %get3A_10 = arith.constant 32 : index
    %get3A_11 = tpu.vector_load %arg8[%get3A_10] {strides = array<i32>} : memref<64xf32, #tpu.memory_space<vmem>>, vector<16xf32>,
    %get3A_12 = vector.shape_cast %get3A_11 : vector<16xf32> to vector<16xf32>
    %get3A_13 = arith.constant 48 : index
    %get3A_14 = tpu.vector_load %arg8[%get3A_13] {strides = array<i32>} : memref<64xf32, #tpu.memory_space<vmem>>, vector<16xf32>,
    %get3A_15 = vector.shape_cast %get3A_14 : vector<16xf32> to vector<16xf32>
    %get3A_16 = arith.constant 0 : index
    %get3A_17 = tpu.vector_load %arg6[%get3A_16] {strides = array<i32>} : memref<32xf32, #tpu.memory_space<vmem>>, vector<16xf32>,
    %get3A_18 = vector.shape_cast %get3A_17 : vector<16xf32> to vector<16xf32>
    %get3A_19 = arith.constant 16 : index
    %get3A_20 = tpu.vector_load %arg6[%get3A_19] {strides = array<i32>} : memref<32xf32, #tpu.memory_space<vmem>>, vector<16xf32>,
    %get3A_21 = vector.shape_cast %get3A_20 : vector<16xf32> to vector<16xf32>
    %broadcast_in_dim3A = arith.constant 1.000000e+00 : f32
    %broadcast_in_dim3A_22 = vector.broadcast %broadcast_in_dim3A : f32 to vector<16xf32>
    %broadcast_in_dim3A_23 = arith.constant 0.000000e+00 : f32
    %broadcast_in_dim3A_24 = vector.broadcast %broadcast_in_dim3A_23 : f32 to vector<16xf32>
    %slice3A = vector.extract_strided_slice %get3A_18 {offsets = [0], sizes = [1], strides = [1]} : vector<16xf32> to vector<1xf32>
    %squeeze3A = vector.extract %slice3A[0] : f32 from vector<1xf32>
    %broadcast_in_dim3A_25 = vector.broadcast %squeeze3A : f32 to vector<16xf32>
    %slice3A_26 = vector.extract_strided_slice %get3A_18 {offsets = [1], sizes = [1], strides = [1]} : vector<16xf32> to vector<1xf32>
    %squeeze3A_27 = vector.extract %slice3A_26[0] : f32 from vector<1xf32>
    %broadcast_in_dim3A_28 = vector.broadcast %squeeze3A_27 : f32 to vector<16xf32>
    %slice3A_29 = vector.extract_strided_slice %get3A_18 {offsets = [2], sizes = [1], strides = [1]} : vector<16xf32> to vector<1xf32>
    %squeeze3A_30 = vector.extract %slice3A_29[0] : f32 from vector<1xf32>
    %broadcast_in_dim3A_31 = vector.broadcast %squeeze3A_30 : f32 to vector<16xf32>
    %slice3A_32 = vector.extract_strided_slice %get3A_18 {offsets = [3], sizes = [1], strides = [1]} : vector<16xf32> to vector<1xf32>
    %squeeze3A_33 = vector.extract %slice3A_32[0] : f32 from vector<1xf32>
    %broadcast_in_dim3A_34 = vector.broadcast %squeeze3A_33 : f32 to vector<16xf32>
    %slice3A_35 = vector.extract_strided_slice %get3A_18 {offsets = [4], sizes = [1], strides = [1]} : vector<16xf32> to vector<1xf32>
    %squeeze3A_36 = vector.extract %slice3A_35[0] : f32 from vector<1xf32>
    %broadcast_in_dim3A_37 = vector.broadcast %squeeze3A_36 : f32 to vector<16xf32>
    %slice3A_38 = vector.extract_strided_slice %get3A_18 {offsets = [5], sizes = [1], strides = [1]} : vector<16xf32> to vector<1xf32>
    %squeeze3A_39 = vector.extract %slice3A_38[0] : f32 from vector<1xf32>
    %broadcast_in_dim3A_40 = vector.broadcast %squeeze3A_39 : f32 to vector<16xf32>
    %slice3A_41 = vector.extract_strided_slice %get3A_18 {offsets = [6], sizes = [1], strides = [1]} : vector<16xf32> to vector<1xf32>
    %squeeze3A_42 = vector.extract %slice3A_41[0] : f32 from vector<1xf32>
    %broadcast_in_dim3A_43 = vector.broadcast %squeeze3A_42 : f32 to vector<16xf32>
    %slice3A_44 = vector.extract_strided_slice %get3A_18 {offsets = [7], sizes = [1], strides = [1]} : vector<16xf32> to vector<1xf32>
    %squeeze3A_45 = vector.extract %slice3A_44[0] : f32 from vector<1xf32>
    %broadcast_in_dim3A_46 = vector.broadcast %squeeze3A_45 : f32 to vector<16xf32>
    %sub3A = arith.subf %broadcast_in_dim3A_25, %get3A_6 : vector<16xf32>
    %mul3A_47 = arith.mulf %sub3A, %sub3A : vector<16xf32>
    %sub3A_48 = arith.subf %broadcast_in_dim3A_22, %mul3A_47 : vector<16xf32>
    %max3A = arith.maximumf %sub3A_48, %broadcast_in_dim3A_24 : vector<16xf32>
    %add3A_49 = arith.addf %broadcast_in_dim3A_24, %max3A : vector<16xf32>
    %sub3A_50 = arith.subf %broadcast_in_dim3A_28, %get3A_6 : vector<16xf32>
    %mul3A_51 = arith.mulf %sub3A_50, %sub3A_50 : vector<16xf32>
    %sub3A_52 = arith.subf %broadcast_in_dim3A_22, %mul3A_51 : vector<16xf32>
    %max3A_53 = arith.maximumf %sub3A_52, %broadcast_in_dim3A_24 : vector<16xf32>
    %add3A_54 = arith.addf %add3A_49, %max3A_53 : vector<16xf32>
    %sub3A_55 = arith.subf %broadcast_in_dim3A_31, %get3A_6 : vector<16xf32>
    %mul3A_56 = arith.mulf %sub3A_55, %sub3A_55 : vector<16xf32>
    %sub3A_57 = arith.subf %broadcast_in_dim3A_22, %mul3A_56 : vector<16xf32>
    %max3A_58 = arith.maximumf %sub3A_57, %broadcast_in_dim3A_24 : vector<16xf32>
    %add3A_59 = arith.addf %add3A_54, %max3A_58 : vector<16xf32>
    %sub3A_60 = arith.subf %broadcast_in_dim3A_34, %get3A_6 : vector<16xf32>
    %mul3A_61 = arith.mulf %sub3A_60, %sub3A_60 : vector<16xf32>
    %sub3A_62 = arith.subf %broadcast_in_dim3A_22, %mul3A_61 : vector<16xf32>
    %max3A_63 = arith.maximumf %sub3A_62, %broadcast_in_dim3A_24 : vector<16xf32>
    %add3A_64 = arith.addf %add3A_59, %max3A_63 : vector<16xf32>
    %sub3A_65 = arith.subf %broadcast_in_dim3A_37, %get3A_6 : vector<16xf32>
    %mul3A_66 = arith.mulf %sub3A_65, %sub3A_65 : vector<16xf32>
    %sub3A_67 = arith.subf %broadcast_in_dim3A_22, %mul3A_66 : vector<16xf32>
    %max3A_68 = arith.maximumf %sub3A_67, %broadcast_in_dim3A_24 : vector<16xf32>
    %add3A_69 = arith.addf %add3A_64, %max3A_68 : vector<16xf32>
    %sub3A_70 = arith.subf %broadcast_in_dim3A_40, %get3A_6 : vector<16xf32>
    %mul3A_71 = arith.mulf %sub3A_70, %sub3A_70 : vector<16xf32>
    %sub3A_72 = arith.subf %broadcast_in_dim3A_22, %mul3A_71 : vector<16xf32>
    %max3A_73 = arith.maximumf %sub3A_72, %broadcast_in_dim3A_24 : vector<16xf32>
    %add3A_74 = arith.addf %add3A_69, %max3A_73 : vector<16xf32>
    %sub3A_75 = arith.subf %broadcast_in_dim3A_43, %get3A_6 : vector<16xf32>
    %mul3A_76 = arith.mulf %sub3A_75, %sub3A_75 : vector<16xf32>
    %sub3A_77 = arith.subf %broadcast_in_dim3A_22, %mul3A_76 : vector<16xf32>
    %max3A_78 = arith.maximumf %sub3A_77, %broadcast_in_dim3A_24 : vector<16xf32>
    %add3A_79 = arith.addf %add3A_74, %max3A_78 : vector<16xf32>
    %sub3A_80 = arith.subf %broadcast_in_dim3A_46, %get3A_6 : vector<16xf32>
    %mul3A_81 = arith.mulf %sub3A_80, %sub3A_80 : vector<16xf32>
    %sub3A_82 = arith.subf %broadcast_in_dim3A_22, %mul3A_81 : vector<16xf32>
    %max3A_83 = arith.maximumf %sub3A_82, %broadcast_in_dim3A_24 : vector<16xf32>
    %add3A_84 = arith.addf %add3A_79, %max3A_83 : vector<16xf32>
    %get3A_85 = arith.constant 0 : i32
    %get3A_86 = arith.index_cast %get3A_85 : i32 to index
    %get3A_87 = arith.constant 0 : index
    %get3A_88 = tpu.vector_load %arg7[%get3A_86, %get3A_87] {strides = array<i32>} : memref<4x64xf32, #tpu.memory_space<vmem>>, vector<1x16xf32>,
    %get3A_89 = vector.shape_cast %get3A_88 : vector<1x16xf32> to vector<16xf32>
    %mul3A_90 = arith.mulf %add3A_84, %get3A_89 : vector<16xf32>
    %swap3A = arith.constant 0 : i32
    %swap3A_91 = arith.index_cast %swap3A : i32 to index
    %swap3A_92 = arith.constant 0 : index
    %swap3A_93 = tpu.vector_load %arg9[%swap3A_91, %swap3A_92] {strides = array<i32>} : memref<4x64xf32, #tpu.memory_space<vmem>>, vector<1x16xf32>,
    %swap3A_94 = vector.shape_cast %swap3A_93 : vector<1x16xf32> to vector<16xf32>
    %swap3A_95 = vector.shape_cast %mul3A_90 : vector<16xf32> to vector<1x16xf32>
    tpu.vector_store %arg9[%swap3A_91, %swap3A_92], %swap3A_95 {strides = array<i32>} : memref<4x64xf32, #tpu.memory_space<vmem>>, vector<1x16xf32>,
    %sub3A_96 = arith.subf %broadcast_in_dim3A_25, %get3A_9 : vector<16xf32>
    %mul3A_97 = arith.mulf %sub3A_96, %sub3A_96 : vector<16xf32>
    %sub3A_98 = arith.subf %broadcast_in_dim3A_22, %mul3A_97 : vector<16xf32>
    %max3A_99 = arith.maximumf %sub3A_98, %broadcast_in_dim3A_24 : vector<16xf32>
    %add3A_100 = arith.addf %broadcast_in_dim3A_24, %max3A_99 : vector<16xf32>
    %sub3A_101 = arith.subf %broadcast_in_dim3A_28, %get3A_9 : vector<16xf32>
    %mul3A_102 = arith.mulf %sub3A_101, %sub3A_101 : vector<16xf32>
    %sub3A_103 = arith.subf %broadcast_in_dim3A_22, %mul3A_102 : vector<16xf32>
    %max3A_104 = arith.maximumf %sub3A_103, %broadcast_in_dim3A_24 : vector<16xf32>
    %add3A_105 = arith.addf %add3A_100, %max3A_104 : vector<16xf32>
    %sub3A_106 = arith.subf %broadcast_in_dim3A_31, %get3A_9 : vector<16xf32>
    %mul3A_107 = arith.mulf %sub3A_106, %sub3A_106 : vector<16xf32>
    %sub3A_108 = arith.subf %broadcast_in_dim3A_22, %mul3A_107 : vector<16xf32>
    %max3A_109 = arith.maximumf %sub3A_108, %broadcast_in_dim3A_24 : vector<16xf32>
    %add3A_110 = arith.addf %add3A_105, %max3A_109 : vector<16xf32>
    %sub3A_111 = arith.subf %broadcast_in_dim3A_34, %get3A_9 : vector<16xf32>
    %mul3A_112 = arith.mulf %sub3A_111, %sub3A_111 : vector<16xf32>
    %sub3A_113 = arith.subf %broadcast_in_dim3A_22, %mul3A_112 : vector<16xf32>
    %max3A_114 = arith.maximumf %sub3A_113, %broadcast_in_dim3A_24 : vector<16xf32>
    %add3A_115 = arith.addf %add3A_110, %max3A_114 : vector<16xf32>
    %sub3A_116 = arith.subf %broadcast_in_dim3A_37, %get3A_9 : vector<16xf32>
    %mul3A_117 = arith.mulf %sub3A_116, %sub3A_116 : vector<16xf32>
    %sub3A_118 = arith.subf %broadcast_in_dim3A_22, %mul3A_117 : vector<16xf32>
    %max3A_119 = arith.maximumf %sub3A_118, %broadcast_in_dim3A_24 : vector<16xf32>
    %add3A_120 = arith.addf %add3A_115, %max3A_119 : vector<16xf32>
    %sub3A_121 = arith.subf %broadcast_in_dim3A_40, %get3A_9 : vector<16xf32>
    %mul3A_122 = arith.mulf %sub3A_121, %sub3A_121 : vector<16xf32>
    %sub3A_123 = arith.subf %broadcast_in_dim3A_22, %mul3A_122 : vector<16xf32>
    %max3A_124 = arith.maximumf %sub3A_123, %broadcast_in_dim3A_24 : vector<16xf32>
    %add3A_125 = arith.addf %add3A_120, %max3A_124 : vector<16xf32>
    %sub3A_126 = arith.subf %broadcast_in_dim3A_43, %get3A_9 : vector<16xf32>
    %mul3A_127 = arith.mulf %sub3A_126, %sub3A_126 : vector<16xf32>
    %sub3A_128 = arith.subf %broadcast_in_dim3A_22, %mul3A_127 : vector<16xf32>
    %max3A_129 = arith.maximumf %sub3A_128, %broadcast_in_dim3A_24 : vector<16xf32>
    %add3A_130 = arith.addf %add3A_125, %max3A_129 : vector<16xf32>
    %sub3A_131 = arith.subf %broadcast_in_dim3A_46, %get3A_9 : vector<16xf32>
    %mul3A_132 = arith.mulf %sub3A_131, %sub3A_131 : vector<16xf32>
    %sub3A_133 = arith.subf %broadcast_in_dim3A_22, %mul3A_132 : vector<16xf32>
    %max3A_134 = arith.maximumf %sub3A_133, %broadcast_in_dim3A_24 : vector<16xf32>
    %add3A_135 = arith.addf %add3A_130, %max3A_134 : vector<16xf32>
    %get3A_136 = arith.constant 0 : i32
    %get3A_137 = arith.index_cast %get3A_136 : i32 to index
    %get3A_138 = arith.constant 16 : index
    %get3A_139 = tpu.vector_load %arg7[%get3A_137, %get3A_138] {strides = array<i32>} : memref<4x64xf32, #tpu.memory_space<vmem>>, vector<1x16xf32>,
    %get3A_140 = vector.shape_cast %get3A_139 : vector<1x16xf32> to vector<16xf32>
    %mul3A_141 = arith.mulf %add3A_135, %get3A_140 : vector<16xf32>
    %swap3A_142 = arith.constant 0 : i32
    %swap3A_143 = arith.index_cast %swap3A_142 : i32 to index
    %swap3A_144 = arith.constant 16 : index
    %swap3A_145 = tpu.vector_load %arg9[%swap3A_143, %swap3A_144] {strides = array<i32>} : memref<4x64xf32, #tpu.memory_space<vmem>>, vector<1x16xf32>,
    %swap3A_146 = vector.shape_cast %swap3A_145 : vector<1x16xf32> to vector<16xf32>
    %swap3A_147 = vector.shape_cast %mul3A_141 : vector<16xf32> to vector<1x16xf32>
    tpu.vector_store %arg9[%swap3A_143, %swap3A_144], %swap3A_147 {strides = array<i32>} : memref<4x64xf32, #tpu.memory_space<vmem>>, vector<1x16xf32>,
    %sub3A_148 = arith.subf %broadcast_in_dim3A_25, %get3A_12 : vector<16xf32>
    %mul3A_149 = arith.mulf %sub3A_148, %sub3A_148 : vector<16xf32>
    %sub3A_150 = arith.subf %broadcast_in_dim3A_22, %mul3A_149 : vector<16xf32>
    %max3A_151 = arith.maximumf %sub3A_150, %broadcast_in_dim3A_24 : vector<16xf32>
    %add3A_152 = arith.addf %broadcast_in_dim3A_24, %max3A_151 : vector<16xf32>
    %sub3A_153 = arith.subf %broadcast_in_dim3A_28, %get3A_12 : vector<16xf32>
    %mul3A_154 = arith.mulf %sub3A_153, %sub3A_153 : vector<16xf32>
    %sub3A_155 = arith.subf %broadcast_in_dim3A_22, %mul3A_154 : vector<16xf32>
    %max3A_156 = arith.maximumf %sub3A_155, %broadcast_in_dim3A_24 : vector<16xf32>
    %add3A_157 = arith.addf %add3A_152, %max3A_156 : vector<16xf32>
    %sub3A_158 = arith.subf %broadcast_in_dim3A_31, %get3A_12 : vector<16xf32>
    %mul3A_159 = arith.mulf %sub3A_158, %sub3A_158 : vector<16xf32>
    %sub3A_160 = arith.subf %broadcast_in_dim3A_22, %mul3A_159 : vector<16xf32>
    %max3A_161 = arith.maximumf %sub3A_160, %broadcast_in_dim3A_24 : vector<16xf32>
    %add3A_162 = arith.addf %add3A_157, %max3A_161 : vector<16xf32>
    %sub3A_163 = arith.subf %broadcast_in_dim3A_34, %get3A_12 : vector<16xf32>
    %mul3A_164 = arith.mulf %sub3A_163, %sub3A_163 : vector<16xf32>
    %sub3A_165 = arith.subf %broadcast_in_dim3A_22, %mul3A_164 : vector<16xf32>
    %max3A_166 = arith.maximumf %sub3A_165, %broadcast_in_dim3A_24 : vector<16xf32>
    %add3A_167 = arith.addf %add3A_162, %max3A_166 : vector<16xf32>
    %sub3A_168 = arith.subf %broadcast_in_dim3A_37, %get3A_12 : vector<16xf32>
    %mul3A_169 = arith.mulf %sub3A_168, %sub3A_168 : vector<16xf32>
    %sub3A_170 = arith.subf %broadcast_in_dim3A_22, %mul3A_169 : vector<16xf32>
    %max3A_171 = arith.maximumf %sub3A_170, %broadcast_in_dim3A_24 : vector<16xf32>
    %add3A_172 = arith.addf %add3A_167, %max3A_171 : vector<16xf32>
    %sub3A_173 = arith.subf %broadcast_in_dim3A_40, %get3A_12 : vector<16xf32>
    %mul3A_174 = arith.mulf %sub3A_173, %sub3A_173 : vector<16xf32>
    %sub3A_175 = arith.subf %broadcast_in_dim3A_22, %mul3A_174 : vector<16xf32>
    %max3A_176 = arith.maximumf %sub3A_175, %broadcast_in_dim3A_24 : vector<16xf32>
    %add3A_177 = arith.addf %add3A_172, %max3A_176 : vector<16xf32>
    %sub3A_178 = arith.subf %broadcast_in_dim3A_43, %get3A_12 : vector<16xf32>
    %mul3A_179 = arith.mulf %sub3A_178, %sub3A_178 : vector<16xf32>
    %sub3A_180 = arith.subf %broadcast_in_dim3A_22, %mul3A_179 : vector<16xf32>
    %max3A_181 = arith.maximumf %sub3A_180, %broadcast_in_dim3A_24 : vector<16xf32>
    %add3A_182 = arith.addf %add3A_177, %max3A_181 : vector<16xf32>
    %sub3A_183 = arith.subf %broadcast_in_dim3A_46, %get3A_12 : vector<16xf32>
    %mul3A_184 = arith.mulf %sub3A_183, %sub3A_183 : vector<16xf32>
    %sub3A_185 = arith.subf %broadcast_in_dim3A_22, %mul3A_184 : vector<16xf32>
    %max3A_186 = arith.maximumf %sub3A_185, %broadcast_in_dim3A_24 : vector<16xf32>
    %add3A_187 = arith.addf %add3A_182, %max3A_186 : vector<16xf32>
    %get3A_188 = arith.constant 0 : i32
    %get3A_189 = arith.index_cast %get3A_188 : i32 to index
    %get3A_190 = arith.constant 32 : index
    %get3A_191 = tpu.vector_load %arg7[%get3A_189, %get3A_190] {strides = array<i32>} : memref<4x64xf32, #tpu.memory_space<vmem>>, vector<1x16xf32>,
    %get3A_192 = vector.shape_cast %get3A_191 : vector<1x16xf32> to vector<16xf32>
    %mul3A_193 = arith.mulf %add3A_187, %get3A_192 : vector<16xf32>
    %swap3A_194 = arith.constant 0 : i32
    %swap3A_195 = arith.index_cast %swap3A_194 : i32 to index
    %swap3A_196 = arith.constant 32 : index
    %swap3A_197 = tpu.vector_load %arg9[%swap3A_195, %swap3A_196] {strides = array<i32>} : memref<4x64xf32, #tpu.memory_space<vmem>>, vector<1x16xf32>,
    %swap3A_198 = vector.shape_cast %swap3A_197 : vector<1x16xf32> to vector<16xf32>
    %swap3A_199 = vector.shape_cast %mul3A_193 : vector<16xf32> to vector<1x16xf32>
    tpu.vector_store %arg9[%swap3A_195, %swap3A_196], %swap3A_199 {strides = array<i32>} : memref<4x64xf32, #tpu.memory_space<vmem>>, vector<1x16xf32>,
    %sub3A_200 = arith.subf %broadcast_in_dim3A_25, %get3A_15 : vector<16xf32>
    %mul3A_201 = arith.mulf %sub3A_200, %sub3A_200 : vector<16xf32>
    %sub3A_202 = arith.subf %broadcast_in_dim3A_22, %mul3A_201 : vector<16xf32>
    %max3A_203 = arith.maximumf %sub3A_202, %broadcast_in_dim3A_24 : vector<16xf32>
    %add3A_204 = arith.addf %broadcast_in_dim3A_24, %max3A_203 : vector<16xf32>
    %sub3A_205 = arith.subf %broadcast_in_dim3A_28, %get3A_15 : vector<16xf32>
    %mul3A_206 = arith.mulf %sub3A_205, %sub3A_205 : vector<16xf32>
    %sub3A_207 = arith.subf %broadcast_in_dim3A_22, %mul3A_206 : vector<16xf32>
    %max3A_208 = arith.maximumf %sub3A_207, %broadcast_in_dim3A_24 : vector<16xf32>
    %add3A_209 = arith.addf %add3A_204, %max3A_208 : vector<16xf32>
    %sub3A_210 = arith.subf %broadcast_in_dim3A_31, %get3A_15 : vector<16xf32>
    %mul3A_211 = arith.mulf %sub3A_210, %sub3A_210 : vector<16xf32>
    %sub3A_212 = arith.subf %broadcast_in_dim3A_22, %mul3A_211 : vector<16xf32>
    %max3A_213 = arith.maximumf %sub3A_212, %broadcast_in_dim3A_24 : vector<16xf32>
    %add3A_214 = arith.addf %add3A_209, %max3A_213 : vector<16xf32>
    %sub3A_215 = arith.subf %broadcast_in_dim3A_34, %get3A_15 : vector<16xf32>
    %mul3A_216 = arith.mulf %sub3A_215, %sub3A_215 : vector<16xf32>
    %sub3A_217 = arith.subf %broadcast_in_dim3A_22, %mul3A_216 : vector<16xf32>
    %max3A_218 = arith.maximumf %sub3A_217, %broadcast_in_dim3A_24 : vector<16xf32>
    %add3A_219 = arith.addf %add3A_214, %max3A_218 : vector<16xf32>
    %sub3A_220 = arith.subf %broadcast_in_dim3A_37, %get3A_15 : vector<16xf32>
    %mul3A_221 = arith.mulf %sub3A_220, %sub3A_220 : vector<16xf32>
    %sub3A_222 = arith.subf %broadcast_in_dim3A_22, %mul3A_221 : vector<16xf32>
    %max3A_223 = arith.maximumf %sub3A_222, %broadcast_in_dim3A_24 : vector<16xf32>
    %add3A_224 = arith.addf %add3A_219, %max3A_223 : vector<16xf32>
    %sub3A_225 = arith.subf %broadcast_in_dim3A_40, %get3A_15 : vector<16xf32>
    %mul3A_226 = arith.mulf %sub3A_225, %sub3A_225 : vector<16xf32>
    %sub3A_227 = arith.subf %broadcast_in_dim3A_22, %mul3A_226 : vector<16xf32>
    %max3A_228 = arith.maximumf %sub3A_227, %broadcast_in_dim3A_24 : vector<16xf32>
    %add3A_229 = arith.addf %add3A_224, %max3A_228 : vector<16xf32>
    %sub3A_230 = arith.subf %broadcast_in_dim3A_43, %get3A_15 : vector<16xf32>
    %mul3A_231 = arith.mulf %sub3A_230, %sub3A_230 : vector<16xf32>
    %sub3A_232 = arith.subf %broadcast_in_dim3A_22, %mul3A_231 : vector<16xf32>
    %max3A_233 = arith.maximumf %sub3A_232, %broadcast_in_dim3A_24 : vector<16xf32>
    %add3A_234 = arith.addf %add3A_229, %max3A_233 : vector<16xf32>
    %sub3A_235 = arith.subf %broadcast_in_dim3A_46, %get3A_15 : vector<16xf32>
    %mul3A_236 = arith.mulf %sub3A_235, %sub3A_235 : vector<16xf32>
    %sub3A_237 = arith.subf %broadcast_in_dim3A_22, %mul3A_236 : vector<16xf32>
    %max3A_238 = arith.maximumf %sub3A_237, %broadcast_in_dim3A_24 : vector<16xf32>
    %add3A_239 = arith.addf %add3A_234, %max3A_238 : vector<16xf32>
    %get3A_240 = arith.constant 0 : i32
    %get3A_241 = arith.index_cast %get3A_240 : i32 to index
    %get3A_242 = arith.constant 48 : index
    %get3A_243 = tpu.vector_load %arg7[%get3A_241, %get3A_242] {strides = array<i32>} : memref<4x64xf32, #tpu.memory_space<vmem>>, vector<1x16xf32>,
    %get3A_244 = vector.shape_cast %get3A_243 : vector<1x16xf32> to vector<16xf32>
    %mul3A_245 = arith.mulf %add3A_239, %get3A_244 : vector<16xf32>
    %swap3A_246 = arith.constant 0 : i32
    %swap3A_247 = arith.index_cast %swap3A_246 : i32 to index
    %swap3A_248 = arith.constant 48 : index
    %swap3A_249 = tpu.vector_load %arg9[%swap3A_247, %swap3A_248] {strides = array<i32>} : memref<4x64xf32, #tpu.memory_space<vmem>>, vector<1x16xf32>,
    %swap3A_250 = vector.shape_cast %swap3A_249 : vector<1x16xf32> to vector<16xf32>
    %swap3A_251 = vector.shape_cast %mul3A_245 : vector<16xf32> to vector<1x16xf32>
    tpu.vector_store %arg9[%swap3A_247, %swap3A_248], %swap3A_251 {strides = array<i32>} : memref<4x64xf32, #tpu.memory_space<vmem>>, vector<1x16xf32>,
    %slice3A_252 = vector.extract_strided_slice %get3A_18 {offsets = [8], sizes = [1], strides = [1]} : vector<16xf32> to vector<1xf32>
    %squeeze3A_253 = vector.extract %slice3A_252[0] : f32 from vector<1xf32>
    %broadcast_in_dim3A_254 = vector.broadcast %squeeze3A_253 : f32 to vector<16xf32>
    %slice3A_255 = vector.extract_strided_slice %get3A_18 {offsets = [9], sizes = [1], strides = [1]} : vector<16xf32> to vector<1xf32>
    %squeeze3A_256 = vector.extract %slice3A_255[0] : f32 from vector<1xf32>
    %broadcast_in_dim3A_257 = vector.broadcast %squeeze3A_256 : f32 to vector<16xf32>
    %slice3A_258 = vector.extract_strided_slice %get3A_18 {offsets = [10], sizes = [1], strides = [1]} : vector<16xf32> to vector<1xf32>
    %squeeze3A_259 = vector.extract %slice3A_258[0] : f32 from vector<1xf32>
    %broadcast_in_dim3A_260 = vector.broadcast %squeeze3A_259 : f32 to vector<16xf32>
    %slice3A_261 = vector.extract_strided_slice %get3A_18 {offsets = [11], sizes = [1], strides = [1]} : vector<16xf32> to vector<1xf32>
    %squeeze3A_262 = vector.extract %slice3A_261[0] : f32 from vector<1xf32>
    %broadcast_in_dim3A_263 = vector.broadcast %squeeze3A_262 : f32 to vector<16xf32>
    %slice3A_264 = vector.extract_strided_slice %get3A_18 {offsets = [12], sizes = [1], strides = [1]} : vector<16xf32> to vector<1xf32>
    %squeeze3A_265 = vector.extract %slice3A_264[0] : f32 from vector<1xf32>
    %broadcast_in_dim3A_266 = vector.broadcast %squeeze3A_265 : f32 to vector<16xf32>
    %slice3A_267 = vector.extract_strided_slice %get3A_18 {offsets = [13], sizes = [1], strides = [1]} : vector<16xf32> to vector<1xf32>
    %squeeze3A_268 = vector.extract %slice3A_267[0] : f32 from vector<1xf32>
    %broadcast_in_dim3A_269 = vector.broadcast %squeeze3A_268 : f32 to vector<16xf32>
    %slice3A_270 = vector.extract_strided_slice %get3A_18 {offsets = [14], sizes = [1], strides = [1]} : vector<16xf32> to vector<1xf32>
    %squeeze3A_271 = vector.extract %slice3A_270[0] : f32 from vector<1xf32>
    %broadcast_in_dim3A_272 = vector.broadcast %squeeze3A_271 : f32 to vector<16xf32>
    %slice3A_273 = vector.extract_strided_slice %get3A_18 {offsets = [15], sizes = [1], strides = [1]} : vector<16xf32> to vector<1xf32>
    %squeeze3A_274 = vector.extract %slice3A_273[0] : f32 from vector<1xf32>
    %broadcast_in_dim3A_275 = vector.broadcast %squeeze3A_274 : f32 to vector<16xf32>
    %sub3A_276 = arith.subf %broadcast_in_dim3A_254, %get3A_6 : vector<16xf32>
    %mul3A_277 = arith.mulf %sub3A_276, %sub3A_276 : vector<16xf32>
    %sub3A_278 = arith.subf %broadcast_in_dim3A_22, %mul3A_277 : vector<16xf32>
    %max3A_279 = arith.maximumf %sub3A_278, %broadcast_in_dim3A_24 : vector<16xf32>
    %add3A_280 = arith.addf %broadcast_in_dim3A_24, %max3A_279 : vector<16xf32>
    %sub3A_281 = arith.subf %broadcast_in_dim3A_257, %get3A_6 : vector<16xf32>
    %mul3A_282 = arith.mulf %sub3A_281, %sub3A_281 : vector<16xf32>
    %sub3A_283 = arith.subf %broadcast_in_dim3A_22, %mul3A_282 : vector<16xf32>
    %max3A_284 = arith.maximumf %sub3A_283, %broadcast_in_dim3A_24 : vector<16xf32>
    %add3A_285 = arith.addf %add3A_280, %max3A_284 : vector<16xf32>
    %sub3A_286 = arith.subf %broadcast_in_dim3A_260, %get3A_6 : vector<16xf32>
    %mul3A_287 = arith.mulf %sub3A_286, %sub3A_286 : vector<16xf32>
    %sub3A_288 = arith.subf %broadcast_in_dim3A_22, %mul3A_287 : vector<16xf32>
    %max3A_289 = arith.maximumf %sub3A_288, %broadcast_in_dim3A_24 : vector<16xf32>
    %add3A_290 = arith.addf %add3A_285, %max3A_289 : vector<16xf32>
    %sub3A_291 = arith.subf %broadcast_in_dim3A_263, %get3A_6 : vector<16xf32>
    %mul3A_292 = arith.mulf %sub3A_291, %sub3A_291 : vector<16xf32>
    %sub3A_293 = arith.subf %broadcast_in_dim3A_22, %mul3A_292 : vector<16xf32>
    %max3A_294 = arith.maximumf %sub3A_293, %broadcast_in_dim3A_24 : vector<16xf32>
    %add3A_295 = arith.addf %add3A_290, %max3A_294 : vector<16xf32>
    %sub3A_296 = arith.subf %broadcast_in_dim3A_266, %get3A_6 : vector<16xf32>
    %mul3A_297 = arith.mulf %sub3A_296, %sub3A_296 : vector<16xf32>
    %sub3A_298 = arith.subf %broadcast_in_dim3A_22, %mul3A_297 : vector<16xf32>
    %max3A_299 = arith.maximumf %sub3A_298, %broadcast_in_dim3A_24 : vector<16xf32>
    %add3A_300 = arith.addf %add3A_295, %max3A_299 : vector<16xf32>
    %sub3A_301 = arith.subf %broadcast_in_dim3A_269, %get3A_6 : vector<16xf32>
    %mul3A_302 = arith.mulf %sub3A_301, %sub3A_301 : vector<16xf32>
    %sub3A_303 = arith.subf %broadcast_in_dim3A_22, %mul3A_302 : vector<16xf32>
    %max3A_304 = arith.maximumf %sub3A_303, %broadcast_in_dim3A_24 : vector<16xf32>
    %add3A_305 = arith.addf %add3A_300, %max3A_304 : vector<16xf32>
    %sub3A_306 = arith.subf %broadcast_in_dim3A_272, %get3A_6 : vector<16xf32>
    %mul3A_307 = arith.mulf %sub3A_306, %sub3A_306 : vector<16xf32>
    %sub3A_308 = arith.subf %broadcast_in_dim3A_22, %mul3A_307 : vector<16xf32>
    %max3A_309 = arith.maximumf %sub3A_308, %broadcast_in_dim3A_24 : vector<16xf32>
    %add3A_310 = arith.addf %add3A_305, %max3A_309 : vector<16xf32>
    %sub3A_311 = arith.subf %broadcast_in_dim3A_275, %get3A_6 : vector<16xf32>
    %mul3A_312 = arith.mulf %sub3A_311, %sub3A_311 : vector<16xf32>
    %sub3A_313 = arith.subf %broadcast_in_dim3A_22, %mul3A_312 : vector<16xf32>
    %max3A_314 = arith.maximumf %sub3A_313, %broadcast_in_dim3A_24 : vector<16xf32>
    %add3A_315 = arith.addf %add3A_310, %max3A_314 : vector<16xf32>
    %get3A_316 = arith.constant 1 : i32
    %get3A_317 = arith.index_cast %get3A_316 : i32 to index
    %get3A_318 = arith.constant 0 : index
    %get3A_319 = tpu.vector_load %arg7[%get3A_317, %get3A_318] {strides = array<i32>} : memref<4x64xf32, #tpu.memory_space<vmem>>, vector<1x16xf32>,
    %get3A_320 = vector.shape_cast %get3A_319 : vector<1x16xf32> to vector<16xf32>
    %mul3A_321 = arith.mulf %add3A_315, %get3A_320 : vector<16xf32>
    %swap3A_322 = arith.constant 1 : i32
    %swap3A_323 = arith.index_cast %swap3A_322 : i32 to index
    %swap3A_324 = arith.constant 0 : index
    %swap3A_325 = tpu.vector_load %arg9[%swap3A_323, %swap3A_324] {strides = array<i32>} : memref<4x64xf32, #tpu.memory_space<vmem>>, vector<1x16xf32>,
    %swap3A_326 = vector.shape_cast %swap3A_325 : vector<1x16xf32> to vector<16xf32>
    %swap3A_327 = vector.shape_cast %mul3A_321 : vector<16xf32> to vector<1x16xf32>
    tpu.vector_store %arg9[%swap3A_323, %swap3A_324], %swap3A_327 {strides = array<i32>} : memref<4x64xf32, #tpu.memory_space<vmem>>, vector<1x16xf32>,
    %sub3A_328 = arith.subf %broadcast_in_dim3A_254, %get3A_9 : vector<16xf32>
    %mul3A_329 = arith.mulf %sub3A_328, %sub3A_328 : vector<16xf32>
    %sub3A_330 = arith.subf %broadcast_in_dim3A_22, %mul3A_329 : vector<16xf32>
    %max3A_331 = arith.maximumf %sub3A_330, %broadcast_in_dim3A_24 : vector<16xf32>
    %add3A_332 = arith.addf %broadcast_in_dim3A_24, %max3A_331 : vector<16xf32>
    %sub3A_333 = arith.subf %broadcast_in_dim3A_257, %get3A_9 : vector<16xf32>
    %mul3A_334 = arith.mulf %sub3A_333, %sub3A_333 : vector<16xf32>
    %sub3A_335 = arith.subf %broadcast_in_dim3A_22, %mul3A_334 : vector<16xf32>
    %max3A_336 = arith.maximumf %sub3A_335, %broadcast_in_dim3A_24 : vector<16xf32>
    %add3A_337 = arith.addf %add3A_332, %max3A_336 : vector<16xf32>
    %sub3A_338 = arith.subf %broadcast_in_dim3A_260, %get3A_9 : vector<16xf32>
    %mul3A_339 = arith.mulf %sub3A_338, %sub3A_338 : vector<16xf32>
    %sub3A_340 = arith.subf %broadcast_in_dim3A_22, %mul3A_339 : vector<16xf32>
    %max3A_341 = arith.maximumf %sub3A_340, %broadcast_in_dim3A_24 : vector<16xf32>
    %add3A_342 = arith.addf %add3A_337, %max3A_341 : vector<16xf32>
    %sub3A_343 = arith.subf %broadcast_in_dim3A_263, %get3A_9 : vector<16xf32>
    %mul3A_344 = arith.mulf %sub3A_343, %sub3A_343 : vector<16xf32>
    %sub3A_345 = arith.subf %broadcast_in_dim3A_22, %mul3A_344 : vector<16xf32>
    %max3A_346 = arith.maximumf %sub3A_345, %broadcast_in_dim3A_24 : vector<16xf32>
    %add3A_347 = arith.addf %add3A_342, %max3A_346 : vector<16xf32>
    %sub3A_348 = arith.subf %broadcast_in_dim3A_266, %get3A_9 : vector<16xf32>
    %mul3A_349 = arith.mulf %sub3A_348, %sub3A_348 : vector<16xf32>
    %sub3A_350 = arith.subf %broadcast_in_dim3A_22, %mul3A_349 : vector<16xf32>
    %max3A_351 = arith.maximumf %sub3A_350, %broadcast_in_dim3A_24 : vector<16xf32>
    %add3A_352 = arith.addf %add3A_347, %max3A_351 : vector<16xf32>
    %sub3A_353 = arith.subf %broadcast_in_dim3A_269, %get3A_9 : vector<16xf32>
    %mul3A_354 = arith.mulf %sub3A_353, %sub3A_353 : vector<16xf32>
    %sub3A_355 = arith.subf %broadcast_in_dim3A_22, %mul3A_354 : vector<16xf32>
    %max3A_356 = arith.maximumf %sub3A_355, %broadcast_in_dim3A_24 : vector<16xf32>
    %add3A_357 = arith.addf %add3A_352, %max3A_356 : vector<16xf32>
    %sub3A_358 = arith.subf %broadcast_in_dim3A_272, %get3A_9 : vector<16xf32>
    %mul3A_359 = arith.mulf %sub3A_358, %sub3A_358 : vector<16xf32>
    %sub3A_360 = arith.subf %broadcast_in_dim3A_22, %mul3A_359 : vector<16xf32>
    %max3A_361 = arith.maximumf %sub3A_360, %broadcast_in_dim3A_24 : vector<16xf32>
    %add3A_362 = arith.addf %add3A_357, %max3A_361 : vector<16xf32>
    %sub3A_363 = arith.subf %broadcast_in_dim3A_275, %get3A_9 : vector<16xf32>
    %mul3A_364 = arith.mulf %sub3A_363, %sub3A_363 : vector<16xf32>
    %sub3A_365 = arith.subf %broadcast_in_dim3A_22, %mul3A_364 : vector<16xf32>
    %max3A_366 = arith.maximumf %sub3A_365, %broadcast_in_dim3A_24 : vector<16xf32>
    %add3A_367 = arith.addf %add3A_362, %max3A_366 : vector<16xf32>
    %get3A_368 = arith.constant 1 : i32
    %get3A_369 = arith.index_cast %get3A_368 : i32 to index
    %get3A_370 = arith.constant 16 : index
    %get3A_371 = tpu.vector_load %arg7[%get3A_369, %get3A_370] {strides = array<i32>} : memref<4x64xf32, #tpu.memory_space<vmem>>, vector<1x16xf32>,
    %get3A_372 = vector.shape_cast %get3A_371 : vector<1x16xf32> to vector<16xf32>
    %mul3A_373 = arith.mulf %add3A_367, %get3A_372 : vector<16xf32>
    %swap3A_374 = arith.constant 1 : i32
    %swap3A_375 = arith.index_cast %swap3A_374 : i32 to index
    %swap3A_376 = arith.constant 16 : index
    %swap3A_377 = tpu.vector_load %arg9[%swap3A_375, %swap3A_376] {strides = array<i32>} : memref<4x64xf32, #tpu.memory_space<vmem>>, vector<1x16xf32>,
    %swap3A_378 = vector.shape_cast %swap3A_377 : vector<1x16xf32> to vector<16xf32>
    %swap3A_379 = vector.shape_cast %mul3A_373 : vector<16xf32> to vector<1x16xf32>
    tpu.vector_store %arg9[%swap3A_375, %swap3A_376], %swap3A_379 {strides = array<i32>} : memref<4x64xf32, #tpu.memory_space<vmem>>, vector<1x16xf32>,
    %sub3A_380 = arith.subf %broadcast_in_dim3A_254, %get3A_12 : vector<16xf32>
    %mul3A_381 = arith.mulf %sub3A_380, %sub3A_380 : vector<16xf32>
    %sub3A_382 = arith.subf %broadcast_in_dim3A_22, %mul3A_381 : vector<16xf32>
    %max3A_383 = arith.maximumf %sub3A_382, %broadcast_in_dim3A_24 : vector<16xf32>
    %add3A_384 = arith.addf %broadcast_in_dim3A_24, %max3A_383 : vector<16xf32>
    %sub3A_385 = arith.subf %broadcast_in_dim3A_257, %get3A_12 : vector<16xf32>
    %mul3A_386 = arith.mulf %sub3A_385, %sub3A_385 : vector<16xf32>
    %sub3A_387 = arith.subf %broadcast_in_dim3A_22, %mul3A_386 : vector<16xf32>
    %max3A_388 = arith.maximumf %sub3A_387, %broadcast_in_dim3A_24 : vector<16xf32>
    %add3A_389 = arith.addf %add3A_384, %max3A_388 : vector<16xf32>
    %sub3A_390 = arith.subf %broadcast_in_dim3A_260, %get3A_12 : vector<16xf32>
    %mul3A_391 = arith.mulf %sub3A_390, %sub3A_390 : vector<16xf32>
    %sub3A_392 = arith.subf %broadcast_in_dim3A_22, %mul3A_391 : vector<16xf32>
    %max3A_393 = arith.maximumf %sub3A_392, %broadcast_in_dim3A_24 : vector<16xf32>
    %add3A_394 = arith.addf %add3A_389, %max3A_393 : vector<16xf32>
    %sub3A_395 = arith.subf %broadcast_in_dim3A_263, %get3A_12 : vector<16xf32>
    %mul3A_396 = arith.mulf %sub3A_395, %sub3A_395 : vector<16xf32>
    %sub3A_397 = arith.subf %broadcast_in_dim3A_22, %mul3A_396 : vector<16xf32>
    %max3A_398 = arith.maximumf %sub3A_397, %broadcast_in_dim3A_24 : vector<16xf32>
    %add3A_399 = arith.addf %add3A_394, %max3A_398 : vector<16xf32>
    %sub3A_400 = arith.subf %broadcast_in_dim3A_266, %get3A_12 : vector<16xf32>
    %mul3A_401 = arith.mulf %sub3A_400, %sub3A_400 : vector<16xf32>
    %sub3A_402 = arith.subf %broadcast_in_dim3A_22, %mul3A_401 : vector<16xf32>
    %max3A_403 = arith.maximumf %sub3A_402, %broadcast_in_dim3A_24 : vector<16xf32>
    %add3A_404 = arith.addf %add3A_399, %max3A_403 : vector<16xf32>
    %sub3A_405 = arith.subf %broadcast_in_dim3A_269, %get3A_12 : vector<16xf32>
    %mul3A_406 = arith.mulf %sub3A_405, %sub3A_405 : vector<16xf32>
    %sub3A_407 = arith.subf %broadcast_in_dim3A_22, %mul3A_406 : vector<16xf32>
    %max3A_408 = arith.maximumf %sub3A_407, %broadcast_in_dim3A_24 : vector<16xf32>
    %add3A_409 = arith.addf %add3A_404, %max3A_408 : vector<16xf32>
    %sub3A_410 = arith.subf %broadcast_in_dim3A_272, %get3A_12 : vector<16xf32>
    %mul3A_411 = arith.mulf %sub3A_410, %sub3A_410 : vector<16xf32>
    %sub3A_412 = arith.subf %broadcast_in_dim3A_22, %mul3A_411 : vector<16xf32>
    %max3A_413 = arith.maximumf %sub3A_412, %broadcast_in_dim3A_24 : vector<16xf32>
    %add3A_414 = arith.addf %add3A_409, %max3A_413 : vector<16xf32>
    %sub3A_415 = arith.subf %broadcast_in_dim3A_275, %get3A_12 : vector<16xf32>
    %mul3A_416 = arith.mulf %sub3A_415, %sub3A_415 : vector<16xf32>
    %sub3A_417 = arith.subf %broadcast_in_dim3A_22, %mul3A_416 : vector<16xf32>
    %max3A_418 = arith.maximumf %sub3A_417, %broadcast_in_dim3A_24 : vector<16xf32>
    %add3A_419 = arith.addf %add3A_414, %max3A_418 : vector<16xf32>
    %get3A_420 = arith.constant 1 : i32
    %get3A_421 = arith.index_cast %get3A_420 : i32 to index
    %get3A_422 = arith.constant 32 : index
    %get3A_423 = tpu.vector_load %arg7[%get3A_421, %get3A_422] {strides = array<i32>} : memref<4x64xf32, #tpu.memory_space<vmem>>, vector<1x16xf32>,
    %get3A_424 = vector.shape_cast %get3A_423 : vector<1x16xf32> to vector<16xf32>
    %mul3A_425 = arith.mulf %add3A_419, %get3A_424 : vector<16xf32>
    %swap3A_426 = arith.constant 1 : i32
    %swap3A_427 = arith.index_cast %swap3A_426 : i32 to index
    %swap3A_428 = arith.constant 32 : index
    %swap3A_429 = tpu.vector_load %arg9[%swap3A_427, %swap3A_428] {strides = array<i32>} : memref<4x64xf32, #tpu.memory_space<vmem>>, vector<1x16xf32>,
    %swap3A_430 = vector.shape_cast %swap3A_429 : vector<1x16xf32> to vector<16xf32>
    %swap3A_431 = vector.shape_cast %mul3A_425 : vector<16xf32> to vector<1x16xf32>
    tpu.vector_store %arg9[%swap3A_427, %swap3A_428], %swap3A_431 {strides = array<i32>} : memref<4x64xf32, #tpu.memory_space<vmem>>, vector<1x16xf32>,
    %sub3A_432 = arith.subf %broadcast_in_dim3A_254, %get3A_15 : vector<16xf32>
    %mul3A_433 = arith.mulf %sub3A_432, %sub3A_432 : vector<16xf32>
    %sub3A_434 = arith.subf %broadcast_in_dim3A_22, %mul3A_433 : vector<16xf32>
    %max3A_435 = arith.maximumf %sub3A_434, %broadcast_in_dim3A_24 : vector<16xf32>
    %add3A_436 = arith.addf %broadcast_in_dim3A_24, %max3A_435 : vector<16xf32>
    %sub3A_437 = arith.subf %broadcast_in_dim3A_257, %get3A_15 : vector<16xf32>
    %mul3A_438 = arith.mulf %sub3A_437, %sub3A_437 : vector<16xf32>
    %sub3A_439 = arith.subf %broadcast_in_dim3A_22, %mul3A_438 : vector<16xf32>
    %max3A_440 = arith.maximumf %sub3A_439, %broadcast_in_dim3A_24 : vector<16xf32>
    %add3A_441 = arith.addf %add3A_436, %max3A_440 : vector<16xf32>
    %sub3A_442 = arith.subf %broadcast_in_dim3A_260, %get3A_15 : vector<16xf32>
    %mul3A_443 = arith.mulf %sub3A_442, %sub3A_442 : vector<16xf32>
    %sub3A_444 = arith.subf %broadcast_in_dim3A_22, %mul3A_443 : vector<16xf32>
    %max3A_445 = arith.maximumf %sub3A_444, %broadcast_in_dim3A_24 : vector<16xf32>
    %add3A_446 = arith.addf %add3A_441, %max3A_445 : vector<16xf32>
    %sub3A_447 = arith.subf %broadcast_in_dim3A_263, %get3A_15 : vector<16xf32>
    %mul3A_448 = arith.mulf %sub3A_447, %sub3A_447 : vector<16xf32>
    %sub3A_449 = arith.subf %broadcast_in_dim3A_22, %mul3A_448 : vector<16xf32>
    %max3A_450 = arith.maximumf %sub3A_449, %broadcast_in_dim3A_24 : vector<16xf32>
    %add3A_451 = arith.addf %add3A_446, %max3A_450 : vector<16xf32>
    %sub3A_452 = arith.subf %broadcast_in_dim3A_266, %get3A_15 : vector<16xf32>
    %mul3A_453 = arith.mulf %sub3A_452, %sub3A_452 : vector<16xf32>
    %sub3A_454 = arith.subf %broadcast_in_dim3A_22, %mul3A_453 : vector<16xf32>
    %max3A_455 = arith.maximumf %sub3A_454, %broadcast_in_dim3A_24 : vector<16xf32>
    %add3A_456 = arith.addf %add3A_451, %max3A_455 : vector<16xf32>
    %sub3A_457 = arith.subf %broadcast_in_dim3A_269, %get3A_15 : vector<16xf32>
    %mul3A_458 = arith.mulf %sub3A_457, %sub3A_457 : vector<16xf32>
    %sub3A_459 = arith.subf %broadcast_in_dim3A_22, %mul3A_458 : vector<16xf32>
    %max3A_460 = arith.maximumf %sub3A_459, %broadcast_in_dim3A_24 : vector<16xf32>
    %add3A_461 = arith.addf %add3A_456, %max3A_460 : vector<16xf32>
    %sub3A_462 = arith.subf %broadcast_in_dim3A_272, %get3A_15 : vector<16xf32>
    %mul3A_463 = arith.mulf %sub3A_462, %sub3A_462 : vector<16xf32>
    %sub3A_464 = arith.subf %broadcast_in_dim3A_22, %mul3A_463 : vector<16xf32>
    %max3A_465 = arith.maximumf %sub3A_464, %broadcast_in_dim3A_24 : vector<16xf32>
    %add3A_466 = arith.addf %add3A_461, %max3A_465 : vector<16xf32>
    %sub3A_467 = arith.subf %broadcast_in_dim3A_275, %get3A_15 : vector<16xf32>
    %mul3A_468 = arith.mulf %sub3A_467, %sub3A_467 : vector<16xf32>
    %sub3A_469 = arith.subf %broadcast_in_dim3A_22, %mul3A_468 : vector<16xf32>
    %max3A_470 = arith.maximumf %sub3A_469, %broadcast_in_dim3A_24 : vector<16xf32>
    %add3A_471 = arith.addf %add3A_466, %max3A_470 : vector<16xf32>
    %get3A_472 = arith.constant 1 : i32
    %get3A_473 = arith.index_cast %get3A_472 : i32 to index
    %get3A_474 = arith.constant 48 : index
    %get3A_475 = tpu.vector_load %arg7[%get3A_473, %get3A_474] {strides = array<i32>} : memref<4x64xf32, #tpu.memory_space<vmem>>, vector<1x16xf32>,
    %get3A_476 = vector.shape_cast %get3A_475 : vector<1x16xf32> to vector<16xf32>
    %mul3A_477 = arith.mulf %add3A_471, %get3A_476 : vector<16xf32>
    %swap3A_478 = arith.constant 1 : i32
    %swap3A_479 = arith.index_cast %swap3A_478 : i32 to index
    %swap3A_480 = arith.constant 48 : index
    %swap3A_481 = tpu.vector_load %arg9[%swap3A_479, %swap3A_480] {strides = array<i32>} : memref<4x64xf32, #tpu.memory_space<vmem>>, vector<1x16xf32>,
    %swap3A_482 = vector.shape_cast %swap3A_481 : vector<1x16xf32> to vector<16xf32>
    %swap3A_483 = vector.shape_cast %mul3A_477 : vector<16xf32> to vector<1x16xf32>
    tpu.vector_store %arg9[%swap3A_479, %swap3A_480], %swap3A_483 {strides = array<i32>} : memref<4x64xf32, #tpu.memory_space<vmem>>, vector<1x16xf32>,
    %slice3A_484 = vector.extract_strided_slice %get3A_21 {offsets = [0], sizes = [1], strides = [1]} : vector<16xf32> to vector<1xf32>
    %squeeze3A_485 = vector.extract %slice3A_484[0] : f32 from vector<1xf32>
    %broadcast_in_dim3A_486 = vector.broadcast %squeeze3A_485 : f32 to vector<16xf32>
    %slice3A_487 = vector.extract_strided_slice %get3A_21 {offsets = [1], sizes = [1], strides = [1]} : vector<16xf32> to vector<1xf32>
    %squeeze3A_488 = vector.extract %slice3A_487[0] : f32 from vector<1xf32>
    %broadcast_in_dim3A_489 = vector.broadcast %squeeze3A_488 : f32 to vector<16xf32>
    %slice3A_490 = vector.extract_strided_slice %get3A_21 {offsets = [2], sizes = [1], strides = [1]} : vector<16xf32> to vector<1xf32>
    %squeeze3A_491 = vector.extract %slice3A_490[0] : f32 from vector<1xf32>
    %broadcast_in_dim3A_492 = vector.broadcast %squeeze3A_491 : f32 to vector<16xf32>
    %slice3A_493 = vector.extract_strided_slice %get3A_21 {offsets = [3], sizes = [1], strides = [1]} : vector<16xf32> to vector<1xf32>
    %squeeze3A_494 = vector.extract %slice3A_493[0] : f32 from vector<1xf32>
    %broadcast_in_dim3A_495 = vector.broadcast %squeeze3A_494 : f32 to vector<16xf32>
    %slice3A_496 = vector.extract_strided_slice %get3A_21 {offsets = [4], sizes = [1], strides = [1]} : vector<16xf32> to vector<1xf32>
    %squeeze3A_497 = vector.extract %slice3A_496[0] : f32 from vector<1xf32>
    %broadcast_in_dim3A_498 = vector.broadcast %squeeze3A_497 : f32 to vector<16xf32>
    %slice3A_499 = vector.extract_strided_slice %get3A_21 {offsets = [5], sizes = [1], strides = [1]} : vector<16xf32> to vector<1xf32>
    %squeeze3A_500 = vector.extract %slice3A_499[0] : f32 from vector<1xf32>
    %broadcast_in_dim3A_501 = vector.broadcast %squeeze3A_500 : f32 to vector<16xf32>
    %slice3A_502 = vector.extract_strided_slice %get3A_21 {offsets = [6], sizes = [1], strides = [1]} : vector<16xf32> to vector<1xf32>
    %squeeze3A_503 = vector.extract %slice3A_502[0] : f32 from vector<1xf32>
    %broadcast_in_dim3A_504 = vector.broadcast %squeeze3A_503 : f32 to vector<16xf32>
    %slice3A_505 = vector.extract_strided_slice %get3A_21 {offsets = [7], sizes = [1], strides = [1]} : vector<16xf32> to vector<1xf32>
    %squeeze3A_506 = vector.extract %slice3A_505[0] : f32 from vector<1xf32>
    %broadcast_in_dim3A_507 = vector.broadcast %squeeze3A_506 : f32 to vector<16xf32>
    %sub3A_508 = arith.subf %broadcast_in_dim3A_486, %get3A_6 : vector<16xf32>
    %mul3A_509 = arith.mulf %sub3A_508, %sub3A_508 : vector<16xf32>
    %sub3A_510 = arith.subf %broadcast_in_dim3A_22, %mul3A_509 : vector<16xf32>
    %max3A_511 = arith.maximumf %sub3A_510, %broadcast_in_dim3A_24 : vector<16xf32>
    %add3A_512 = arith.addf %broadcast_in_dim3A_24, %max3A_511 : vector<16xf32>
    %sub3A_513 = arith.subf %broadcast_in_dim3A_489, %get3A_6 : vector<16xf32>
    %mul3A_514 = arith.mulf %sub3A_513, %sub3A_513 : vector<16xf32>
    %sub3A_515 = arith.subf %broadcast_in_dim3A_22, %mul3A_514 : vector<16xf32>
    %max3A_516 = arith.maximumf %sub3A_515, %broadcast_in_dim3A_24 : vector<16xf32>
    %add3A_517 = arith.addf %add3A_512, %max3A_516 : vector<16xf32>
    %sub3A_518 = arith.subf %broadcast_in_dim3A_492, %get3A_6 : vector<16xf32>
    %mul3A_519 = arith.mulf %sub3A_518, %sub3A_518 : vector<16xf32>
    %sub3A_520 = arith.subf %broadcast_in_dim3A_22, %mul3A_519 : vector<16xf32>
    %max3A_521 = arith.maximumf %sub3A_520, %broadcast_in_dim3A_24 : vector<16xf32>
    %add3A_522 = arith.addf %add3A_517, %max3A_521 : vector<16xf32>
    %sub3A_523 = arith.subf %broadcast_in_dim3A_495, %get3A_6 : vector<16xf32>
    %mul3A_524 = arith.mulf %sub3A_523, %sub3A_523 : vector<16xf32>
    %sub3A_525 = arith.subf %broadcast_in_dim3A_22, %mul3A_524 : vector<16xf32>
    %max3A_526 = arith.maximumf %sub3A_525, %broadcast_in_dim3A_24 : vector<16xf32>
    %add3A_527 = arith.addf %add3A_522, %max3A_526 : vector<16xf32>
    %sub3A_528 = arith.subf %broadcast_in_dim3A_498, %get3A_6 : vector<16xf32>
    %mul3A_529 = arith.mulf %sub3A_528, %sub3A_528 : vector<16xf32>
    %sub3A_530 = arith.subf %broadcast_in_dim3A_22, %mul3A_529 : vector<16xf32>
    %max3A_531 = arith.maximumf %sub3A_530, %broadcast_in_dim3A_24 : vector<16xf32>
    %add3A_532 = arith.addf %add3A_527, %max3A_531 : vector<16xf32>
    %sub3A_533 = arith.subf %broadcast_in_dim3A_501, %get3A_6 : vector<16xf32>
    %mul3A_534 = arith.mulf %sub3A_533, %sub3A_533 : vector<16xf32>
    %sub3A_535 = arith.subf %broadcast_in_dim3A_22, %mul3A_534 : vector<16xf32>
    %max3A_536 = arith.maximumf %sub3A_535, %broadcast_in_dim3A_24 : vector<16xf32>
    %add3A_537 = arith.addf %add3A_532, %max3A_536 : vector<16xf32>
    %sub3A_538 = arith.subf %broadcast_in_dim3A_504, %get3A_6 : vector<16xf32>
    %mul3A_539 = arith.mulf %sub3A_538, %sub3A_538 : vector<16xf32>
    %sub3A_540 = arith.subf %broadcast_in_dim3A_22, %mul3A_539 : vector<16xf32>
    %max3A_541 = arith.maximumf %sub3A_540, %broadcast_in_dim3A_24 : vector<16xf32>
    %add3A_542 = arith.addf %add3A_537, %max3A_541 : vector<16xf32>
    %sub3A_543 = arith.subf %broadcast_in_dim3A_507, %get3A_6 : vector<16xf32>
    %mul3A_544 = arith.mulf %sub3A_543, %sub3A_543 : vector<16xf32>
    %sub3A_545 = arith.subf %broadcast_in_dim3A_22, %mul3A_544 : vector<16xf32>
    %max3A_546 = arith.maximumf %sub3A_545, %broadcast_in_dim3A_24 : vector<16xf32>
    %add3A_547 = arith.addf %add3A_542, %max3A_546 : vector<16xf32>
    %get3A_548 = arith.constant 2 : i32
    %get3A_549 = arith.index_cast %get3A_548 : i32 to index
    %get3A_550 = arith.constant 0 : index
    %get3A_551 = tpu.vector_load %arg7[%get3A_549, %get3A_550] {strides = array<i32>} : memref<4x64xf32, #tpu.memory_space<vmem>>, vector<1x16xf32>,
    %get3A_552 = vector.shape_cast %get3A_551 : vector<1x16xf32> to vector<16xf32>
    %mul3A_553 = arith.mulf %add3A_547, %get3A_552 : vector<16xf32>
    %swap3A_554 = arith.constant 2 : i32
    %swap3A_555 = arith.index_cast %swap3A_554 : i32 to index
    %swap3A_556 = arith.constant 0 : index
    %swap3A_557 = tpu.vector_load %arg9[%swap3A_555, %swap3A_556] {strides = array<i32>} : memref<4x64xf32, #tpu.memory_space<vmem>>, vector<1x16xf32>,
    %swap3A_558 = vector.shape_cast %swap3A_557 : vector<1x16xf32> to vector<16xf32>
    %swap3A_559 = vector.shape_cast %mul3A_553 : vector<16xf32> to vector<1x16xf32>
    tpu.vector_store %arg9[%swap3A_555, %swap3A_556], %swap3A_559 {strides = array<i32>} : memref<4x64xf32, #tpu.memory_space<vmem>>, vector<1x16xf32>,
    %sub3A_560 = arith.subf %broadcast_in_dim3A_486, %get3A_9 : vector<16xf32>
    %mul3A_561 = arith.mulf %sub3A_560, %sub3A_560 : vector<16xf32>
    %sub3A_562 = arith.subf %broadcast_in_dim3A_22, %mul3A_561 : vector<16xf32>
    %max3A_563 = arith.maximumf %sub3A_562, %broadcast_in_dim3A_24 : vector<16xf32>
    %add3A_564 = arith.addf %broadcast_in_dim3A_24, %max3A_563 : vector<16xf32>
    %sub3A_565 = arith.subf %broadcast_in_dim3A_489, %get3A_9 : vector<16xf32>
    %mul3A_566 = arith.mulf %sub3A_565, %sub3A_565 : vector<16xf32>
    %sub3A_567 = arith.subf %broadcast_in_dim3A_22, %mul3A_566 : vector<16xf32>
    %max3A_568 = arith.maximumf %sub3A_567, %broadcast_in_dim3A_24 : vector<16xf32>
    %add3A_569 = arith.addf %add3A_564, %max3A_568 : vector<16xf32>
    %sub3A_570 = arith.subf %broadcast_in_dim3A_492, %get3A_9 : vector<16xf32>
    %mul3A_571 = arith.mulf %sub3A_570, %sub3A_570 : vector<16xf32>
    %sub3A_572 = arith.subf %broadcast_in_dim3A_22, %mul3A_571 : vector<16xf32>
    %max3A_573 = arith.maximumf %sub3A_572, %broadcast_in_dim3A_24 : vector<16xf32>
    %add3A_574 = arith.addf %add3A_569, %max3A_573 : vector<16xf32>
    %sub3A_575 = arith.subf %broadcast_in_dim3A_495, %get3A_9 : vector<16xf32>
    %mul3A_576 = arith.mulf %sub3A_575, %sub3A_575 : vector<16xf32>
    %sub3A_577 = arith.subf %broadcast_in_dim3A_22, %mul3A_576 : vector<16xf32>
    %max3A_578 = arith.maximumf %sub3A_577, %broadcast_in_dim3A_24 : vector<16xf32>
    %add3A_579 = arith.addf %add3A_574, %max3A_578 : vector<16xf32>
    %sub3A_580 = arith.subf %broadcast_in_dim3A_498, %get3A_9 : vector<16xf32>
    %mul3A_581 = arith.mulf %sub3A_580, %sub3A_580 : vector<16xf32>
    %sub3A_582 = arith.subf %broadcast_in_dim3A_22, %mul3A_581 : vector<16xf32>
    %max3A_583 = arith.maximumf %sub3A_582, %broadcast_in_dim3A_24 : vector<16xf32>
    %add3A_584 = arith.addf %add3A_579, %max3A_583 : vector<16xf32>
    %sub3A_585 = arith.subf %broadcast_in_dim3A_501, %get3A_9 : vector<16xf32>
    %mul3A_586 = arith.mulf %sub3A_585, %sub3A_585 : vector<16xf32>
    %sub3A_587 = arith.subf %broadcast_in_dim3A_22, %mul3A_586 : vector<16xf32>
    %max3A_588 = arith.maximumf %sub3A_587, %broadcast_in_dim3A_24 : vector<16xf32>
    %add3A_589 = arith.addf %add3A_584, %max3A_588 : vector<16xf32>
    %sub3A_590 = arith.subf %broadcast_in_dim3A_504, %get3A_9 : vector<16xf32>
    %mul3A_591 = arith.mulf %sub3A_590, %sub3A_590 : vector<16xf32>
    %sub3A_592 = arith.subf %broadcast_in_dim3A_22, %mul3A_591 : vector<16xf32>
    %max3A_593 = arith.maximumf %sub3A_592, %broadcast_in_dim3A_24 : vector<16xf32>
    %add3A_594 = arith.addf %add3A_589, %max3A_593 : vector<16xf32>
    %sub3A_595 = arith.subf %broadcast_in_dim3A_507, %get3A_9 : vector<16xf32>
    %mul3A_596 = arith.mulf %sub3A_595, %sub3A_595 : vector<16xf32>
    %sub3A_597 = arith.subf %broadcast_in_dim3A_22, %mul3A_596 : vector<16xf32>
    %max3A_598 = arith.maximumf %sub3A_597, %broadcast_in_dim3A_24 : vector<16xf32>
    %add3A_599 = arith.addf %add3A_594, %max3A_598 : vector<16xf32>
    %get3A_600 = arith.constant 2 : i32
    %get3A_601 = arith.index_cast %get3A_600 : i32 to index
    %get3A_602 = arith.constant 16 : index
    %get3A_603 = tpu.vector_load %arg7[%get3A_601, %get3A_602] {strides = array<i32>} : memref<4x64xf32, #tpu.memory_space<vmem>>, vector<1x16xf32>,
    %get3A_604 = vector.shape_cast %get3A_603 : vector<1x16xf32> to vector<16xf32>
    %mul3A_605 = arith.mulf %add3A_599, %get3A_604 : vector<16xf32>
    %swap3A_606 = arith.constant 2 : i32
    %swap3A_607 = arith.index_cast %swap3A_606 : i32 to index
    %swap3A_608 = arith.constant 16 : index
    %swap3A_609 = tpu.vector_load %arg9[%swap3A_607, %swap3A_608] {strides = array<i32>} : memref<4x64xf32, #tpu.memory_space<vmem>>, vector<1x16xf32>,
    %swap3A_610 = vector.shape_cast %swap3A_609 : vector<1x16xf32> to vector<16xf32>
    %swap3A_611 = vector.shape_cast %mul3A_605 : vector<16xf32> to vector<1x16xf32>
    tpu.vector_store %arg9[%swap3A_607, %swap3A_608], %swap3A_611 {strides = array<i32>} : memref<4x64xf32, #tpu.memory_space<vmem>>, vector<1x16xf32>,
    %sub3A_612 = arith.subf %broadcast_in_dim3A_486, %get3A_12 : vector<16xf32>
    %mul3A_613 = arith.mulf %sub3A_612, %sub3A_612 : vector<16xf32>
    %sub3A_614 = arith.subf %broadcast_in_dim3A_22, %mul3A_613 : vector<16xf32>
    %max3A_615 = arith.maximumf %sub3A_614, %broadcast_in_dim3A_24 : vector<16xf32>
    %add3A_616 = arith.addf %broadcast_in_dim3A_24, %max3A_615 : vector<16xf32>
    %sub3A_617 = arith.subf %broadcast_in_dim3A_489, %get3A_12 : vector<16xf32>
    %mul3A_618 = arith.mulf %sub3A_617, %sub3A_617 : vector<16xf32>
    %sub3A_619 = arith.subf %broadcast_in_dim3A_22, %mul3A_618 : vector<16xf32>
    %max3A_620 = arith.maximumf %sub3A_619, %broadcast_in_dim3A_24 : vector<16xf32>
    %add3A_621 = arith.addf %add3A_616, %max3A_620 : vector<16xf32>
    %sub3A_622 = arith.subf %broadcast_in_dim3A_492, %get3A_12 : vector<16xf32>
    %mul3A_623 = arith.mulf %sub3A_622, %sub3A_622 : vector<16xf32>
    %sub3A_624 = arith.subf %broadcast_in_dim3A_22, %mul3A_623 : vector<16xf32>
    %max3A_625 = arith.maximumf %sub3A_624, %broadcast_in_dim3A_24 : vector<16xf32>
    %add3A_626 = arith.addf %add3A_621, %max3A_625 : vector<16xf32>
    %sub3A_627 = arith.subf %broadcast_in_dim3A_495, %get3A_12 : vector<16xf32>
    %mul3A_628 = arith.mulf %sub3A_627, %sub3A_627 : vector<16xf32>
    %sub3A_629 = arith.subf %broadcast_in_dim3A_22, %mul3A_628 : vector<16xf32>
    %max3A_630 = arith.maximumf %sub3A_629, %broadcast_in_dim3A_24 : vector<16xf32>
    %add3A_631 = arith.addf %add3A_626, %max3A_630 : vector<16xf32>
    %sub3A_632 = arith.subf %broadcast_in_dim3A_498, %get3A_12 : vector<16xf32>
    %mul3A_633 = arith.mulf %sub3A_632, %sub3A_632 : vector<16xf32>
    %sub3A_634 = arith.subf %broadcast_in_dim3A_22, %mul3A_633 : vector<16xf32>
    %max3A_635 = arith.maximumf %sub3A_634, %broadcast_in_dim3A_24 : vector<16xf32>
    %add3A_636 = arith.addf %add3A_631, %max3A_635 : vector<16xf32>
    %sub3A_637 = arith.subf %broadcast_in_dim3A_501, %get3A_12 : vector<16xf32>
    %mul3A_638 = arith.mulf %sub3A_637, %sub3A_637 : vector<16xf32>
    %sub3A_639 = arith.subf %broadcast_in_dim3A_22, %mul3A_638 : vector<16xf32>
    %max3A_640 = arith.maximumf %sub3A_639, %broadcast_in_dim3A_24 : vector<16xf32>
    %add3A_641 = arith.addf %add3A_636, %max3A_640 : vector<16xf32>
    %sub3A_642 = arith.subf %broadcast_in_dim3A_504, %get3A_12 : vector<16xf32>
    %mul3A_643 = arith.mulf %sub3A_642, %sub3A_642 : vector<16xf32>
    %sub3A_644 = arith.subf %broadcast_in_dim3A_22, %mul3A_643 : vector<16xf32>
    %max3A_645 = arith.maximumf %sub3A_644, %broadcast_in_dim3A_24 : vector<16xf32>
    %add3A_646 = arith.addf %add3A_641, %max3A_645 : vector<16xf32>
    %sub3A_647 = arith.subf %broadcast_in_dim3A_507, %get3A_12 : vector<16xf32>
    %mul3A_648 = arith.mulf %sub3A_647, %sub3A_647 : vector<16xf32>
    %sub3A_649 = arith.subf %broadcast_in_dim3A_22, %mul3A_648 : vector<16xf32>
    %max3A_650 = arith.maximumf %sub3A_649, %broadcast_in_dim3A_24 : vector<16xf32>
    %add3A_651 = arith.addf %add3A_646, %max3A_650 : vector<16xf32>
    %get3A_652 = arith.constant 2 : i32
    %get3A_653 = arith.index_cast %get3A_652 : i32 to index
    %get3A_654 = arith.constant 32 : index
    %get3A_655 = tpu.vector_load %arg7[%get3A_653, %get3A_654] {strides = array<i32>} : memref<4x64xf32, #tpu.memory_space<vmem>>, vector<1x16xf32>,
    %get3A_656 = vector.shape_cast %get3A_655 : vector<1x16xf32> to vector<16xf32>
    %mul3A_657 = arith.mulf %add3A_651, %get3A_656 : vector<16xf32>
    %swap3A_658 = arith.constant 2 : i32
    %swap3A_659 = arith.index_cast %swap3A_658 : i32 to index
    %swap3A_660 = arith.constant 32 : index
    %swap3A_661 = tpu.vector_load %arg9[%swap3A_659, %swap3A_660] {strides = array<i32>} : memref<4x64xf32, #tpu.memory_space<vmem>>, vector<1x16xf32>,
    %swap3A_662 = vector.shape_cast %swap3A_661 : vector<1x16xf32> to vector<16xf32>
    %swap3A_663 = vector.shape_cast %mul3A_657 : vector<16xf32> to vector<1x16xf32>
    tpu.vector_store %arg9[%swap3A_659, %swap3A_660], %swap3A_663 {strides = array<i32>} : memref<4x64xf32, #tpu.memory_space<vmem>>, vector<1x16xf32>,
    %sub3A_664 = arith.subf %broadcast_in_dim3A_486, %get3A_15 : vector<16xf32>
    %mul3A_665 = arith.mulf %sub3A_664, %sub3A_664 : vector<16xf32>
    %sub3A_666 = arith.subf %broadcast_in_dim3A_22, %mul3A_665 : vector<16xf32>
    %max3A_667 = arith.maximumf %sub3A_666, %broadcast_in_dim3A_24 : vector<16xf32>
    %add3A_668 = arith.addf %broadcast_in_dim3A_24, %max3A_667 : vector<16xf32>
    %sub3A_669 = arith.subf %broadcast_in_dim3A_489, %get3A_15 : vector<16xf32>
    %mul3A_670 = arith.mulf %sub3A_669, %sub3A_669 : vector<16xf32>
    %sub3A_671 = arith.subf %broadcast_in_dim3A_22, %mul3A_670 : vector<16xf32>
    %max3A_672 = arith.maximumf %sub3A_671, %broadcast_in_dim3A_24 : vector<16xf32>
    %add3A_673 = arith.addf %add3A_668, %max3A_672 : vector<16xf32>
    %sub3A_674 = arith.subf %broadcast_in_dim3A_492, %get3A_15 : vector<16xf32>
    %mul3A_675 = arith.mulf %sub3A_674, %sub3A_674 : vector<16xf32>
    %sub3A_676 = arith.subf %broadcast_in_dim3A_22, %mul3A_675 : vector<16xf32>
    %max3A_677 = arith.maximumf %sub3A_676, %broadcast_in_dim3A_24 : vector<16xf32>
    %add3A_678 = arith.addf %add3A_673, %max3A_677 : vector<16xf32>
    %sub3A_679 = arith.subf %broadcast_in_dim3A_495, %get3A_15 : vector<16xf32>
    %mul3A_680 = arith.mulf %sub3A_679, %sub3A_679 : vector<16xf32>
    %sub3A_681 = arith.subf %broadcast_in_dim3A_22, %mul3A_680 : vector<16xf32>
    %max3A_682 = arith.maximumf %sub3A_681, %broadcast_in_dim3A_24 : vector<16xf32>
    %add3A_683 = arith.addf %add3A_678, %max3A_682 : vector<16xf32>
    %sub3A_684 = arith.subf %broadcast_in_dim3A_498, %get3A_15 : vector<16xf32>
    %mul3A_685 = arith.mulf %sub3A_684, %sub3A_684 : vector<16xf32>
    %sub3A_686 = arith.subf %broadcast_in_dim3A_22, %mul3A_685 : vector<16xf32>
    %max3A_687 = arith.maximumf %sub3A_686, %broadcast_in_dim3A_24 : vector<16xf32>
    %add3A_688 = arith.addf %add3A_683, %max3A_687 : vector<16xf32>
    %sub3A_689 = arith.subf %broadcast_in_dim3A_501, %get3A_15 : vector<16xf32>
    %mul3A_690 = arith.mulf %sub3A_689, %sub3A_689 : vector<16xf32>
    %sub3A_691 = arith.subf %broadcast_in_dim3A_22, %mul3A_690 : vector<16xf32>
    %max3A_692 = arith.maximumf %sub3A_691, %broadcast_in_dim3A_24 : vector<16xf32>
    %add3A_693 = arith.addf %add3A_688, %max3A_692 : vector<16xf32>
    %sub3A_694 = arith.subf %broadcast_in_dim3A_504, %get3A_15 : vector<16xf32>
    %mul3A_695 = arith.mulf %sub3A_694, %sub3A_694 : vector<16xf32>
    %sub3A_696 = arith.subf %broadcast_in_dim3A_22, %mul3A_695 : vector<16xf32>
    %max3A_697 = arith.maximumf %sub3A_696, %broadcast_in_dim3A_24 : vector<16xf32>
    %add3A_698 = arith.addf %add3A_693, %max3A_697 : vector<16xf32>
    %sub3A_699 = arith.subf %broadcast_in_dim3A_507, %get3A_15 : vector<16xf32>
    %mul3A_700 = arith.mulf %sub3A_699, %sub3A_699 : vector<16xf32>
    %sub3A_701 = arith.subf %broadcast_in_dim3A_22, %mul3A_700 : vector<16xf32>
    %max3A_702 = arith.maximumf %sub3A_701, %broadcast_in_dim3A_24 : vector<16xf32>
    %add3A_703 = arith.addf %add3A_698, %max3A_702 : vector<16xf32>
    %get3A_704 = arith.constant 2 : i32
    %get3A_705 = arith.index_cast %get3A_704 : i32 to index
    %get3A_706 = arith.constant 48 : index
    %get3A_707 = tpu.vector_load %arg7[%get3A_705, %get3A_706] {strides = array<i32>} : memref<4x64xf32, #tpu.memory_space<vmem>>, vector<1x16xf32>,
    %get3A_708 = vector.shape_cast %get3A_707 : vector<1x16xf32> to vector<16xf32>
    %mul3A_709 = arith.mulf %add3A_703, %get3A_708 : vector<16xf32>
    %swap3A_710 = arith.constant 2 : i32
    %swap3A_711 = arith.index_cast %swap3A_710 : i32 to index
    %swap3A_712 = arith.constant 48 : index
    %swap3A_713 = tpu.vector_load %arg9[%swap3A_711, %swap3A_712] {strides = array<i32>} : memref<4x64xf32, #tpu.memory_space<vmem>>, vector<1x16xf32>,
    %swap3A_714 = vector.shape_cast %swap3A_713 : vector<1x16xf32> to vector<16xf32>
    %swap3A_715 = vector.shape_cast %mul3A_709 : vector<16xf32> to vector<1x16xf32>
    tpu.vector_store %arg9[%swap3A_711, %swap3A_712], %swap3A_715 {strides = array<i32>} : memref<4x64xf32, #tpu.memory_space<vmem>>, vector<1x16xf32>,
    %slice3A_716 = vector.extract_strided_slice %get3A_21 {offsets = [8], sizes = [1], strides = [1]} : vector<16xf32> to vector<1xf32>
    %squeeze3A_717 = vector.extract %slice3A_716[0] : f32 from vector<1xf32>
    %broadcast_in_dim3A_718 = vector.broadcast %squeeze3A_717 : f32 to vector<16xf32>
    %slice3A_719 = vector.extract_strided_slice %get3A_21 {offsets = [9], sizes = [1], strides = [1]} : vector<16xf32> to vector<1xf32>
    %squeeze3A_720 = vector.extract %slice3A_719[0] : f32 from vector<1xf32>
    %broadcast_in_dim3A_721 = vector.broadcast %squeeze3A_720 : f32 to vector<16xf32>
    %slice3A_722 = vector.extract_strided_slice %get3A_21 {offsets = [10], sizes = [1], strides = [1]} : vector<16xf32> to vector<1xf32>
    %squeeze3A_723 = vector.extract %slice3A_722[0] : f32 from vector<1xf32>
    %broadcast_in_dim3A_724 = vector.broadcast %squeeze3A_723 : f32 to vector<16xf32>
    %slice3A_725 = vector.extract_strided_slice %get3A_21 {offsets = [11], sizes = [1], strides = [1]} : vector<16xf32> to vector<1xf32>
    %squeeze3A_726 = vector.extract %slice3A_725[0] : f32 from vector<1xf32>
    %broadcast_in_dim3A_727 = vector.broadcast %squeeze3A_726 : f32 to vector<16xf32>
    %slice3A_728 = vector.extract_strided_slice %get3A_21 {offsets = [12], sizes = [1], strides = [1]} : vector<16xf32> to vector<1xf32>
    %squeeze3A_729 = vector.extract %slice3A_728[0] : f32 from vector<1xf32>
    %broadcast_in_dim3A_730 = vector.broadcast %squeeze3A_729 : f32 to vector<16xf32>
    %slice3A_731 = vector.extract_strided_slice %get3A_21 {offsets = [13], sizes = [1], strides = [1]} : vector<16xf32> to vector<1xf32>
    %squeeze3A_732 = vector.extract %slice3A_731[0] : f32 from vector<1xf32>
    %broadcast_in_dim3A_733 = vector.broadcast %squeeze3A_732 : f32 to vector<16xf32>
    %slice3A_734 = vector.extract_strided_slice %get3A_21 {offsets = [14], sizes = [1], strides = [1]} : vector<16xf32> to vector<1xf32>
    %squeeze3A_735 = vector.extract %slice3A_734[0] : f32 from vector<1xf32>
    %broadcast_in_dim3A_736 = vector.broadcast %squeeze3A_735 : f32 to vector<16xf32>
    %slice3A_737 = vector.extract_strided_slice %get3A_21 {offsets = [15], sizes = [1], strides = [1]} : vector<16xf32> to vector<1xf32>
    %squeeze3A_738 = vector.extract %slice3A_737[0] : f32 from vector<1xf32>
    %broadcast_in_dim3A_739 = vector.broadcast %squeeze3A_738 : f32 to vector<16xf32>
    %sub3A_740 = arith.subf %broadcast_in_dim3A_718, %get3A_6 : vector<16xf32>
    %mul3A_741 = arith.mulf %sub3A_740, %sub3A_740 : vector<16xf32>
    %sub3A_742 = arith.subf %broadcast_in_dim3A_22, %mul3A_741 : vector<16xf32>
    %max3A_743 = arith.maximumf %sub3A_742, %broadcast_in_dim3A_24 : vector<16xf32>
    %add3A_744 = arith.addf %broadcast_in_dim3A_24, %max3A_743 : vector<16xf32>
    %sub3A_745 = arith.subf %broadcast_in_dim3A_721, %get3A_6 : vector<16xf32>
    %mul3A_746 = arith.mulf %sub3A_745, %sub3A_745 : vector<16xf32>
    %sub3A_747 = arith.subf %broadcast_in_dim3A_22, %mul3A_746 : vector<16xf32>
    %max3A_748 = arith.maximumf %sub3A_747, %broadcast_in_dim3A_24 : vector<16xf32>
    %add3A_749 = arith.addf %add3A_744, %max3A_748 : vector<16xf32>
    %sub3A_750 = arith.subf %broadcast_in_dim3A_724, %get3A_6 : vector<16xf32>
    %mul3A_751 = arith.mulf %sub3A_750, %sub3A_750 : vector<16xf32>
    %sub3A_752 = arith.subf %broadcast_in_dim3A_22, %mul3A_751 : vector<16xf32>
    %max3A_753 = arith.maximumf %sub3A_752, %broadcast_in_dim3A_24 : vector<16xf32>
    %add3A_754 = arith.addf %add3A_749, %max3A_753 : vector<16xf32>
    %sub3A_755 = arith.subf %broadcast_in_dim3A_727, %get3A_6 : vector<16xf32>
    %mul3A_756 = arith.mulf %sub3A_755, %sub3A_755 : vector<16xf32>
    %sub3A_757 = arith.subf %broadcast_in_dim3A_22, %mul3A_756 : vector<16xf32>
    %max3A_758 = arith.maximumf %sub3A_757, %broadcast_in_dim3A_24 : vector<16xf32>
    %add3A_759 = arith.addf %add3A_754, %max3A_758 : vector<16xf32>
    %sub3A_760 = arith.subf %broadcast_in_dim3A_730, %get3A_6 : vector<16xf32>
    %mul3A_761 = arith.mulf %sub3A_760, %sub3A_760 : vector<16xf32>
    %sub3A_762 = arith.subf %broadcast_in_dim3A_22, %mul3A_761 : vector<16xf32>
    %max3A_763 = arith.maximumf %sub3A_762, %broadcast_in_dim3A_24 : vector<16xf32>
    %add3A_764 = arith.addf %add3A_759, %max3A_763 : vector<16xf32>
    %sub3A_765 = arith.subf %broadcast_in_dim3A_733, %get3A_6 : vector<16xf32>
    %mul3A_766 = arith.mulf %sub3A_765, %sub3A_765 : vector<16xf32>
    %sub3A_767 = arith.subf %broadcast_in_dim3A_22, %mul3A_766 : vector<16xf32>
    %max3A_768 = arith.maximumf %sub3A_767, %broadcast_in_dim3A_24 : vector<16xf32>
    %add3A_769 = arith.addf %add3A_764, %max3A_768 : vector<16xf32>
    %sub3A_770 = arith.subf %broadcast_in_dim3A_736, %get3A_6 : vector<16xf32>
    %mul3A_771 = arith.mulf %sub3A_770, %sub3A_770 : vector<16xf32>
    %sub3A_772 = arith.subf %broadcast_in_dim3A_22, %mul3A_771 : vector<16xf32>
    %max3A_773 = arith.maximumf %sub3A_772, %broadcast_in_dim3A_24 : vector<16xf32>
    %add3A_774 = arith.addf %add3A_769, %max3A_773 : vector<16xf32>
    %sub3A_775 = arith.subf %broadcast_in_dim3A_739, %get3A_6 : vector<16xf32>
    %mul3A_776 = arith.mulf %sub3A_775, %sub3A_775 : vector<16xf32>
    %sub3A_777 = arith.subf %broadcast_in_dim3A_22, %mul3A_776 : vector<16xf32>
    %max3A_778 = arith.maximumf %sub3A_777, %broadcast_in_dim3A_24 : vector<16xf32>
    %add3A_779 = arith.addf %add3A_774, %max3A_778 : vector<16xf32>
    %get3A_780 = arith.constant 3 : i32
    %get3A_781 = arith.index_cast %get3A_780 : i32 to index
    %get3A_782 = arith.constant 0 : index
    %get3A_783 = tpu.vector_load %arg7[%get3A_781, %get3A_782] {strides = array<i32>} : memref<4x64xf32, #tpu.memory_space<vmem>>, vector<1x16xf32>,
    %get3A_784 = vector.shape_cast %get3A_783 : vector<1x16xf32> to vector<16xf32>
    %mul3A_785 = arith.mulf %add3A_779, %get3A_784 : vector<16xf32>
    %swap3A_786 = arith.constant 3 : i32
    %swap3A_787 = arith.index_cast %swap3A_786 : i32 to index
    %swap3A_788 = arith.constant 0 : index
    %swap3A_789 = tpu.vector_load %arg9[%swap3A_787, %swap3A_788] {strides = array<i32>} : memref<4x64xf32, #tpu.memory_space<vmem>>, vector<1x16xf32>,
    %swap3A_790 = vector.shape_cast %swap3A_789 : vector<1x16xf32> to vector<16xf32>
    %swap3A_791 = vector.shape_cast %mul3A_785 : vector<16xf32> to vector<1x16xf32>
    tpu.vector_store %arg9[%swap3A_787, %swap3A_788], %swap3A_791 {strides = array<i32>} : memref<4x64xf32, #tpu.memory_space<vmem>>, vector<1x16xf32>,
    %sub3A_792 = arith.subf %broadcast_in_dim3A_718, %get3A_9 : vector<16xf32>
    %mul3A_793 = arith.mulf %sub3A_792, %sub3A_792 : vector<16xf32>
    %sub3A_794 = arith.subf %broadcast_in_dim3A_22, %mul3A_793 : vector<16xf32>
    %max3A_795 = arith.maximumf %sub3A_794, %broadcast_in_dim3A_24 : vector<16xf32>
    %add3A_796 = arith.addf %broadcast_in_dim3A_24, %max3A_795 : vector<16xf32>
    %sub3A_797 = arith.subf %broadcast_in_dim3A_721, %get3A_9 : vector<16xf32>
    %mul3A_798 = arith.mulf %sub3A_797, %sub3A_797 : vector<16xf32>
    %sub3A_799 = arith.subf %broadcast_in_dim3A_22, %mul3A_798 : vector<16xf32>
    %max3A_800 = arith.maximumf %sub3A_799, %broadcast_in_dim3A_24 : vector<16xf32>
    %add3A_801 = arith.addf %add3A_796, %max3A_800 : vector<16xf32>
    %sub3A_802 = arith.subf %broadcast_in_dim3A_724, %get3A_9 : vector<16xf32>
    %mul3A_803 = arith.mulf %sub3A_802, %sub3A_802 : vector<16xf32>
    %sub3A_804 = arith.subf %broadcast_in_dim3A_22, %mul3A_803 : vector<16xf32>
    %max3A_805 = arith.maximumf %sub3A_804, %broadcast_in_dim3A_24 : vector<16xf32>
    %add3A_806 = arith.addf %add3A_801, %max3A_805 : vector<16xf32>
    %sub3A_807 = arith.subf %broadcast_in_dim3A_727, %get3A_9 : vector<16xf32>
    %mul3A_808 = arith.mulf %sub3A_807, %sub3A_807 : vector<16xf32>
    %sub3A_809 = arith.subf %broadcast_in_dim3A_22, %mul3A_808 : vector<16xf32>
    %max3A_810 = arith.maximumf %sub3A_809, %broadcast_in_dim3A_24 : vector<16xf32>
    %add3A_811 = arith.addf %add3A_806, %max3A_810 : vector<16xf32>
    %sub3A_812 = arith.subf %broadcast_in_dim3A_730, %get3A_9 : vector<16xf32>
    %mul3A_813 = arith.mulf %sub3A_812, %sub3A_812 : vector<16xf32>
    %sub3A_814 = arith.subf %broadcast_in_dim3A_22, %mul3A_813 : vector<16xf32>
    %max3A_815 = arith.maximumf %sub3A_814, %broadcast_in_dim3A_24 : vector<16xf32>
    %add3A_816 = arith.addf %add3A_811, %max3A_815 : vector<16xf32>
    %sub3A_817 = arith.subf %broadcast_in_dim3A_733, %get3A_9 : vector<16xf32>
    %mul3A_818 = arith.mulf %sub3A_817, %sub3A_817 : vector<16xf32>
    %sub3A_819 = arith.subf %broadcast_in_dim3A_22, %mul3A_818 : vector<16xf32>
    %max3A_820 = arith.maximumf %sub3A_819, %broadcast_in_dim3A_24 : vector<16xf32>
    %add3A_821 = arith.addf %add3A_816, %max3A_820 : vector<16xf32>
    %sub3A_822 = arith.subf %broadcast_in_dim3A_736, %get3A_9 : vector<16xf32>
    %mul3A_823 = arith.mulf %sub3A_822, %sub3A_822 : vector<16xf32>
    %sub3A_824 = arith.subf %broadcast_in_dim3A_22, %mul3A_823 : vector<16xf32>
    %max3A_825 = arith.maximumf %sub3A_824, %broadcast_in_dim3A_24 : vector<16xf32>
    %add3A_826 = arith.addf %add3A_821, %max3A_825 : vector<16xf32>
    %sub3A_827 = arith.subf %broadcast_in_dim3A_739, %get3A_9 : vector<16xf32>
    %mul3A_828 = arith.mulf %sub3A_827, %sub3A_827 : vector<16xf32>
    %sub3A_829 = arith.subf %broadcast_in_dim3A_22, %mul3A_828 : vector<16xf32>
    %max3A_830 = arith.maximumf %sub3A_829, %broadcast_in_dim3A_24 : vector<16xf32>
    %add3A_831 = arith.addf %add3A_826, %max3A_830 : vector<16xf32>
    %get3A_832 = arith.constant 3 : i32
    %get3A_833 = arith.index_cast %get3A_832 : i32 to index
    %get3A_834 = arith.constant 16 : index
    %get3A_835 = tpu.vector_load %arg7[%get3A_833, %get3A_834] {strides = array<i32>} : memref<4x64xf32, #tpu.memory_space<vmem>>, vector<1x16xf32>,
    %get3A_836 = vector.shape_cast %get3A_835 : vector<1x16xf32> to vector<16xf32>
    %mul3A_837 = arith.mulf %add3A_831, %get3A_836 : vector<16xf32>
    %swap3A_838 = arith.constant 3 : i32
    %swap3A_839 = arith.index_cast %swap3A_838 : i32 to index
    %swap3A_840 = arith.constant 16 : index
    %swap3A_841 = tpu.vector_load %arg9[%swap3A_839, %swap3A_840] {strides = array<i32>} : memref<4x64xf32, #tpu.memory_space<vmem>>, vector<1x16xf32>,
    %swap3A_842 = vector.shape_cast %swap3A_841 : vector<1x16xf32> to vector<16xf32>
    %swap3A_843 = vector.shape_cast %mul3A_837 : vector<16xf32> to vector<1x16xf32>
    tpu.vector_store %arg9[%swap3A_839, %swap3A_840], %swap3A_843 {strides = array<i32>} : memref<4x64xf32, #tpu.memory_space<vmem>>, vector<1x16xf32>,
    %sub3A_844 = arith.subf %broadcast_in_dim3A_718, %get3A_12 : vector<16xf32>
    %mul3A_845 = arith.mulf %sub3A_844, %sub3A_844 : vector<16xf32>
    %sub3A_846 = arith.subf %broadcast_in_dim3A_22, %mul3A_845 : vector<16xf32>
    %max3A_847 = arith.maximumf %sub3A_846, %broadcast_in_dim3A_24 : vector<16xf32>
    %add3A_848 = arith.addf %broadcast_in_dim3A_24, %max3A_847 : vector<16xf32>
    %sub3A_849 = arith.subf %broadcast_in_dim3A_721, %get3A_12 : vector<16xf32>
    %mul3A_850 = arith.mulf %sub3A_849, %sub3A_849 : vector<16xf32>
    %sub3A_851 = arith.subf %broadcast_in_dim3A_22, %mul3A_850 : vector<16xf32>
    %max3A_852 = arith.maximumf %sub3A_851, %broadcast_in_dim3A_24 : vector<16xf32>
    %add3A_853 = arith.addf %add3A_848, %max3A_852 : vector<16xf32>
    %sub3A_854 = arith.subf %broadcast_in_dim3A_724, %get3A_12 : vector<16xf32>
    %mul3A_855 = arith.mulf %sub3A_854, %sub3A_854 : vector<16xf32>
    %sub3A_856 = arith.subf %broadcast_in_dim3A_22, %mul3A_855 : vector<16xf32>
    %max3A_857 = arith.maximumf %sub3A_856, %broadcast_in_dim3A_24 : vector<16xf32>
    %add3A_858 = arith.addf %add3A_853, %max3A_857 : vector<16xf32>
    %sub3A_859 = arith.subf %broadcast_in_dim3A_727, %get3A_12 : vector<16xf32>
    %mul3A_860 = arith.mulf %sub3A_859, %sub3A_859 : vector<16xf32>
    %sub3A_861 = arith.subf %broadcast_in_dim3A_22, %mul3A_860 : vector<16xf32>
    %max3A_862 = arith.maximumf %sub3A_861, %broadcast_in_dim3A_24 : vector<16xf32>
    %add3A_863 = arith.addf %add3A_858, %max3A_862 : vector<16xf32>
    %sub3A_864 = arith.subf %broadcast_in_dim3A_730, %get3A_12 : vector<16xf32>
    %mul3A_865 = arith.mulf %sub3A_864, %sub3A_864 : vector<16xf32>
    %sub3A_866 = arith.subf %broadcast_in_dim3A_22, %mul3A_865 : vector<16xf32>
    %max3A_867 = arith.maximumf %sub3A_866, %broadcast_in_dim3A_24 : vector<16xf32>
    %add3A_868 = arith.addf %add3A_863, %max3A_867 : vector<16xf32>
    %sub3A_869 = arith.subf %broadcast_in_dim3A_733, %get3A_12 : vector<16xf32>
    %mul3A_870 = arith.mulf %sub3A_869, %sub3A_869 : vector<16xf32>
    %sub3A_871 = arith.subf %broadcast_in_dim3A_22, %mul3A_870 : vector<16xf32>
    %max3A_872 = arith.maximumf %sub3A_871, %broadcast_in_dim3A_24 : vector<16xf32>
    %add3A_873 = arith.addf %add3A_868, %max3A_872 : vector<16xf32>
    %sub3A_874 = arith.subf %broadcast_in_dim3A_736, %get3A_12 : vector<16xf32>
    %mul3A_875 = arith.mulf %sub3A_874, %sub3A_874 : vector<16xf32>
    %sub3A_876 = arith.subf %broadcast_in_dim3A_22, %mul3A_875 : vector<16xf32>
    %max3A_877 = arith.maximumf %sub3A_876, %broadcast_in_dim3A_24 : vector<16xf32>
    %add3A_878 = arith.addf %add3A_873, %max3A_877 : vector<16xf32>
    %sub3A_879 = arith.subf %broadcast_in_dim3A_739, %get3A_12 : vector<16xf32>
    %mul3A_880 = arith.mulf %sub3A_879, %sub3A_879 : vector<16xf32>
    %sub3A_881 = arith.subf %broadcast_in_dim3A_22, %mul3A_880 : vector<16xf32>
    %max3A_882 = arith.maximumf %sub3A_881, %broadcast_in_dim3A_24 : vector<16xf32>
    %add3A_883 = arith.addf %add3A_878, %max3A_882 : vector<16xf32>
    %get3A_884 = arith.constant 3 : i32
    %get3A_885 = arith.index_cast %get3A_884 : i32 to index
    %get3A_886 = arith.constant 32 : index
    %get3A_887 = tpu.vector_load %arg7[%get3A_885, %get3A_886] {strides = array<i32>} : memref<4x64xf32, #tpu.memory_space<vmem>>, vector<1x16xf32>,
    %get3A_888 = vector.shape_cast %get3A_887 : vector<1x16xf32> to vector<16xf32>
    %mul3A_889 = arith.mulf %add3A_883, %get3A_888 : vector<16xf32>
    %swap3A_890 = arith.constant 3 : i32
    %swap3A_891 = arith.index_cast %swap3A_890 : i32 to index
    %swap3A_892 = arith.constant 32 : index
    %swap3A_893 = tpu.vector_load %arg9[%swap3A_891, %swap3A_892] {strides = array<i32>} : memref<4x64xf32, #tpu.memory_space<vmem>>, vector<1x16xf32>,
    %swap3A_894 = vector.shape_cast %swap3A_893 : vector<1x16xf32> to vector<16xf32>
    %swap3A_895 = vector.shape_cast %mul3A_889 : vector<16xf32> to vector<1x16xf32>
    tpu.vector_store %arg9[%swap3A_891, %swap3A_892], %swap3A_895 {strides = array<i32>} : memref<4x64xf32, #tpu.memory_space<vmem>>, vector<1x16xf32>,
    %sub3A_896 = arith.subf %broadcast_in_dim3A_718, %get3A_15 : vector<16xf32>
    %mul3A_897 = arith.mulf %sub3A_896, %sub3A_896 : vector<16xf32>
    %sub3A_898 = arith.subf %broadcast_in_dim3A_22, %mul3A_897 : vector<16xf32>
    %max3A_899 = arith.maximumf %sub3A_898, %broadcast_in_dim3A_24 : vector<16xf32>
    %add3A_900 = arith.addf %broadcast_in_dim3A_24, %max3A_899 : vector<16xf32>
    %sub3A_901 = arith.subf %broadcast_in_dim3A_721, %get3A_15 : vector<16xf32>
    %mul3A_902 = arith.mulf %sub3A_901, %sub3A_901 : vector<16xf32>
    %sub3A_903 = arith.subf %broadcast_in_dim3A_22, %mul3A_902 : vector<16xf32>
    %max3A_904 = arith.maximumf %sub3A_903, %broadcast_in_dim3A_24 : vector<16xf32>
    %add3A_905 = arith.addf %add3A_900, %max3A_904 : vector<16xf32>
    %sub3A_906 = arith.subf %broadcast_in_dim3A_724, %get3A_15 : vector<16xf32>
    %mul3A_907 = arith.mulf %sub3A_906, %sub3A_906 : vector<16xf32>
    %sub3A_908 = arith.subf %broadcast_in_dim3A_22, %mul3A_907 : vector<16xf32>
    %max3A_909 = arith.maximumf %sub3A_908, %broadcast_in_dim3A_24 : vector<16xf32>
    %add3A_910 = arith.addf %add3A_905, %max3A_909 : vector<16xf32>
    %sub3A_911 = arith.subf %broadcast_in_dim3A_727, %get3A_15 : vector<16xf32>
    %mul3A_912 = arith.mulf %sub3A_911, %sub3A_911 : vector<16xf32>
    %sub3A_913 = arith.subf %broadcast_in_dim3A_22, %mul3A_912 : vector<16xf32>
    %max3A_914 = arith.maximumf %sub3A_913, %broadcast_in_dim3A_24 : vector<16xf32>
    %add3A_915 = arith.addf %add3A_910, %max3A_914 : vector<16xf32>
    %sub3A_916 = arith.subf %broadcast_in_dim3A_730, %get3A_15 : vector<16xf32>
    %mul3A_917 = arith.mulf %sub3A_916, %sub3A_916 : vector<16xf32>
    %sub3A_918 = arith.subf %broadcast_in_dim3A_22, %mul3A_917 : vector<16xf32>
    %max3A_919 = arith.maximumf %sub3A_918, %broadcast_in_dim3A_24 : vector<16xf32>
    %add3A_920 = arith.addf %add3A_915, %max3A_919 : vector<16xf32>
    %sub3A_921 = arith.subf %broadcast_in_dim3A_733, %get3A_15 : vector<16xf32>
    %mul3A_922 = arith.mulf %sub3A_921, %sub3A_921 : vector<16xf32>
    %sub3A_923 = arith.subf %broadcast_in_dim3A_22, %mul3A_922 : vector<16xf32>
    %max3A_924 = arith.maximumf %sub3A_923, %broadcast_in_dim3A_24 : vector<16xf32>
    %add3A_925 = arith.addf %add3A_920, %max3A_924 : vector<16xf32>
    %sub3A_926 = arith.subf %broadcast_in_dim3A_736, %get3A_15 : vector<16xf32>
    %mul3A_927 = arith.mulf %sub3A_926, %sub3A_926 : vector<16xf32>
    %sub3A_928 = arith.subf %broadcast_in_dim3A_22, %mul3A_927 : vector<16xf32>
    %max3A_929 = arith.maximumf %sub3A_928, %broadcast_in_dim3A_24 : vector<16xf32>
    %add3A_930 = arith.addf %add3A_925, %max3A_929 : vector<16xf32>
    %sub3A_931 = arith.subf %broadcast_in_dim3A_739, %get3A_15 : vector<16xf32>
    %mul3A_932 = arith.mulf %sub3A_931, %sub3A_931 : vector<16xf32>
    %sub3A_933 = arith.subf %broadcast_in_dim3A_22, %mul3A_932 : vector<16xf32>
    %max3A_934 = arith.maximumf %sub3A_933, %broadcast_in_dim3A_24 : vector<16xf32>
    %add3A_935 = arith.addf %add3A_930, %max3A_934 : vector<16xf32>
    %get3A_936 = arith.constant 3 : i32
    %get3A_937 = arith.index_cast %get3A_936 : i32 to index
    %get3A_938 = arith.constant 48 : index
    %get3A_939 = tpu.vector_load %arg7[%get3A_937, %get3A_938] {strides = array<i32>} : memref<4x64xf32, #tpu.memory_space<vmem>>, vector<1x16xf32>,
    %get3A_940 = vector.shape_cast %get3A_939 : vector<1x16xf32> to vector<16xf32>
    %mul3A_941 = arith.mulf %add3A_935, %get3A_940 : vector<16xf32>
    %swap3A_942 = arith.constant 3 : i32
    %swap3A_943 = arith.index_cast %swap3A_942 : i32 to index
    %swap3A_944 = arith.constant 48 : index
    %swap3A_945 = tpu.vector_load %arg9[%swap3A_943, %swap3A_944] {strides = array<i32>} : memref<4x64xf32, #tpu.memory_space<vmem>>, vector<1x16xf32>,
    %swap3A_946 = vector.shape_cast %swap3A_945 : vector<1x16xf32> to vector<16xf32>
    %swap3A_947 = vector.shape_cast %mul3A_941 : vector<16xf32> to vector<1x16xf32>
    tpu.vector_store %arg9[%swap3A_943, %swap3A_944], %swap3A_947 {strides = array<i32>} : memref<4x64xf32, #tpu.memory_space<vmem>>, vector<1x16xf32>,
    "tpu.region"() ({
      %run_scoped3A = tpu.sem_alloc : memref<!tpu.dma_semaphore, #tpu.memory_space<semaphore_mem>>
      %dma_start3A = arith.constant 0 : i32
      %dma_start3A_948 = tpu.memref_slice %arg5[%mul3A_2, %dma_start3A] : memref<128x64xf32, #tpu.memory_space<hbm>> -> memref<4x64xf32, #tpu.memory_space<hbm>>
      %dma_start3A_949 = arith.constant 0 : i32
      %dma_start3A_950 = tpu.memref_slice %arg5[%mul3A_2, %dma_start3A_949] : memref<128x64xf32, #tpu.memory_space<hbm>> -> memref<4x64xf32, #tpu.memory_space<hbm>>
      tpu.enqueue_dma source(%arg9 : memref<4x64xf32, #tpu.memory_space<vmem>>) target(%dma_start3A_950 : memref<4x64xf32, #tpu.memory_space<hbm>>) target_semaphore(%run_scoped3A : memref<!tpu.dma_semaphore, #tpu.memory_space<semaphore_mem>>)
      %dma_wait3A = arith.constant 0 : i32
      %dma_wait3A_951 = tpu.memref_slice %arg5[%mul3A_2, %dma_wait3A] : memref<128x64xf32, #tpu.memory_space<hbm>> -> memref<4x64xf32, #tpu.memory_space<hbm>>
      %dma_wait3A_952 = arith.constant 0 : i32
      %dma_wait3A_953 = tpu.memref_slice %arg5[%mul3A_2, %dma_wait3A_952] : memref<128x64xf32, #tpu.memory_space<hbm>> -> memref<4x64xf32, #tpu.memory_space<hbm>>
      tpu.wait_dma2 semaphore(%run_scoped3A : memref<!tpu.dma_semaphore, #tpu.memory_space<semaphore_mem>>) src(%arg9 : memref<4x64xf32, #tpu.memory_space<vmem>>) dst(%dma_wait3A_953 : memref<4x64xf32, #tpu.memory_space<hbm>>)
      tpu.yield
    }) : () -> ()
    return
  }
}

module attributes {stable_mosaic.version = 14 : i64} {
  func.func @_moe_kernel(%arg0: i32, %arg1: memref<128x64xf32, #tpu.memory_space<vmem>>, %arg2: memref<64x16x1024xf32, #tpu.memory_space<vmem>>, %arg3: memref<128x16x1024xf32, #tpu.memory_space<vmem>>) attributes {dimension_semantics = [#tpu.dimension_semantics<arbitrary>], iteration_bounds = array<i64: 4>, scalar_prefetch = 0 : i64, scratch_operands = 0 : i64, tpu.core_type = #tpu.core_type<tc>, window_params = [{pipeline_mode = #tpu.pipeline_mode<synchronous>, transform_indices = @transform_0, window_bounds = array<i64: 128, 64>}, {transform_indices = @transform_1, window_bounds = array<i64: 64, 16, 1024>}, {transform_indices = @transform_2, window_bounds = array<i64: 128, 16, 1024>}]} {
    %get3A = arith.constant 0 : index
    %get3A_0 = arith.constant 0 : index
    %get3A_1 = vector.load %arg1[%get3A, %get3A_0] : memref<128x64xf32, #tpu.memory_space<vmem>>, vector<128x64xf32>
    %get3A_2 = arith.constant 0 : index
    %get3A_3 = arith.constant 0 : index
    %get3A_4 = arith.constant 0 : index
    %get3A_5 = vector.load %arg2[%get3A_2, %get3A_3, %get3A_4] : memref<64x16x1024xf32, #tpu.memory_space<vmem>>, vector<64x16x1024xf32>
    %transpose3A = tpu.transpose %get3A_5, [1, 0, 2] : vector<64x16x1024xf32> -> vector<16x64x1024xf32>
    %slice3A = vector.extract_strided_slice %transpose3A {offsets = [0, 0, 0], sizes = [1, 64, 1024], strides = [1, 1, 1]} : vector<16x64x1024xf32> to vector<1x64x1024xf32>
    %squeeze3A = vector.shape_cast %slice3A : vector<1x64x1024xf32> to vector<64x1024xf32>
    %dot_general3A = arith.constant dense<0.000000e+00> : vector<128x1024xf32>
    %dot_general3A_6 = tpu.matmul %get3A_1, %squeeze3A, %dot_general3A {dimension_numbers = #tpu.dot_dimension_numbers<[1], [0], [0], [1], [0, 0, 1, 1], [], []>, transpose_lhs_hint = false} : vector<128x64xf32>, vector<64x1024xf32>, vector<128x1024xf32> -> vector<128x1024xf32>
    %slice3A_7 = vector.extract_strided_slice %transpose3A {offsets = [1, 0, 0], sizes = [1, 64, 1024], strides = [1, 1, 1]} : vector<16x64x1024xf32> to vector<1x64x1024xf32>
    %squeeze3A_8 = vector.shape_cast %slice3A_7 : vector<1x64x1024xf32> to vector<64x1024xf32>
    %dot_general3A_9 = arith.constant dense<0.000000e+00> : vector<128x1024xf32>
    %dot_general3A_10 = tpu.matmul %get3A_1, %squeeze3A_8, %dot_general3A_9 {dimension_numbers = #tpu.dot_dimension_numbers<[1], [0], [0], [1], [0, 0, 1, 1], [], []>, transpose_lhs_hint = false} : vector<128x64xf32>, vector<64x1024xf32>, vector<128x1024xf32> -> vector<128x1024xf32>
    %slice3A_11 = vector.extract_strided_slice %transpose3A {offsets = [2, 0, 0], sizes = [1, 64, 1024], strides = [1, 1, 1]} : vector<16x64x1024xf32> to vector<1x64x1024xf32>
    %squeeze3A_12 = vector.shape_cast %slice3A_11 : vector<1x64x1024xf32> to vector<64x1024xf32>
    %dot_general3A_13 = arith.constant dense<0.000000e+00> : vector<128x1024xf32>
    %dot_general3A_14 = tpu.matmul %get3A_1, %squeeze3A_12, %dot_general3A_13 {dimension_numbers = #tpu.dot_dimension_numbers<[1], [0], [0], [1], [0, 0, 1, 1], [], []>, transpose_lhs_hint = false} : vector<128x64xf32>, vector<64x1024xf32>, vector<128x1024xf32> -> vector<128x1024xf32>
    %slice3A_15 = vector.extract_strided_slice %transpose3A {offsets = [3, 0, 0], sizes = [1, 64, 1024], strides = [1, 1, 1]} : vector<16x64x1024xf32> to vector<1x64x1024xf32>
    %squeeze3A_16 = vector.shape_cast %slice3A_15 : vector<1x64x1024xf32> to vector<64x1024xf32>
    %dot_general3A_17 = arith.constant dense<0.000000e+00> : vector<128x1024xf32>
    %dot_general3A_18 = tpu.matmul %get3A_1, %squeeze3A_16, %dot_general3A_17 {dimension_numbers = #tpu.dot_dimension_numbers<[1], [0], [0], [1], [0, 0, 1, 1], [], []>, transpose_lhs_hint = false} : vector<128x64xf32>, vector<64x1024xf32>, vector<128x1024xf32> -> vector<128x1024xf32>
    %slice3A_19 = vector.extract_strided_slice %transpose3A {offsets = [4, 0, 0], sizes = [1, 64, 1024], strides = [1, 1, 1]} : vector<16x64x1024xf32> to vector<1x64x1024xf32>
    %squeeze3A_20 = vector.shape_cast %slice3A_19 : vector<1x64x1024xf32> to vector<64x1024xf32>
    %dot_general3A_21 = arith.constant dense<0.000000e+00> : vector<128x1024xf32>
    %dot_general3A_22 = tpu.matmul %get3A_1, %squeeze3A_20, %dot_general3A_21 {dimension_numbers = #tpu.dot_dimension_numbers<[1], [0], [0], [1], [0, 0, 1, 1], [], []>, transpose_lhs_hint = false} : vector<128x64xf32>, vector<64x1024xf32>, vector<128x1024xf32> -> vector<128x1024xf32>
    %slice3A_23 = vector.extract_strided_slice %transpose3A {offsets = [5, 0, 0], sizes = [1, 64, 1024], strides = [1, 1, 1]} : vector<16x64x1024xf32> to vector<1x64x1024xf32>
    %squeeze3A_24 = vector.shape_cast %slice3A_23 : vector<1x64x1024xf32> to vector<64x1024xf32>
    %dot_general3A_25 = arith.constant dense<0.000000e+00> : vector<128x1024xf32>
    %dot_general3A_26 = tpu.matmul %get3A_1, %squeeze3A_24, %dot_general3A_25 {dimension_numbers = #tpu.dot_dimension_numbers<[1], [0], [0], [1], [0, 0, 1, 1], [], []>, transpose_lhs_hint = false} : vector<128x64xf32>, vector<64x1024xf32>, vector<128x1024xf32> -> vector<128x1024xf32>
    %slice3A_27 = vector.extract_strided_slice %transpose3A {offsets = [6, 0, 0], sizes = [1, 64, 1024], strides = [1, 1, 1]} : vector<16x64x1024xf32> to vector<1x64x1024xf32>
    %squeeze3A_28 = vector.shape_cast %slice3A_27 : vector<1x64x1024xf32> to vector<64x1024xf32>
    %dot_general3A_29 = arith.constant dense<0.000000e+00> : vector<128x1024xf32>
    %dot_general3A_30 = tpu.matmul %get3A_1, %squeeze3A_28, %dot_general3A_29 {dimension_numbers = #tpu.dot_dimension_numbers<[1], [0], [0], [1], [0, 0, 1, 1], [], []>, transpose_lhs_hint = false} : vector<128x64xf32>, vector<64x1024xf32>, vector<128x1024xf32> -> vector<128x1024xf32>
    %slice3A_31 = vector.extract_strided_slice %transpose3A {offsets = [7, 0, 0], sizes = [1, 64, 1024], strides = [1, 1, 1]} : vector<16x64x1024xf32> to vector<1x64x1024xf32>
    %squeeze3A_32 = vector.shape_cast %slice3A_31 : vector<1x64x1024xf32> to vector<64x1024xf32>
    %dot_general3A_33 = arith.constant dense<0.000000e+00> : vector<128x1024xf32>
    %dot_general3A_34 = tpu.matmul %get3A_1, %squeeze3A_32, %dot_general3A_33 {dimension_numbers = #tpu.dot_dimension_numbers<[1], [0], [0], [1], [0, 0, 1, 1], [], []>, transpose_lhs_hint = false} : vector<128x64xf32>, vector<64x1024xf32>, vector<128x1024xf32> -> vector<128x1024xf32>
    %slice3A_35 = vector.extract_strided_slice %transpose3A {offsets = [8, 0, 0], sizes = [1, 64, 1024], strides = [1, 1, 1]} : vector<16x64x1024xf32> to vector<1x64x1024xf32>
    %squeeze3A_36 = vector.shape_cast %slice3A_35 : vector<1x64x1024xf32> to vector<64x1024xf32>
    %dot_general3A_37 = arith.constant dense<0.000000e+00> : vector<128x1024xf32>
    %dot_general3A_38 = tpu.matmul %get3A_1, %squeeze3A_36, %dot_general3A_37 {dimension_numbers = #tpu.dot_dimension_numbers<[1], [0], [0], [1], [0, 0, 1, 1], [], []>, transpose_lhs_hint = false} : vector<128x64xf32>, vector<64x1024xf32>, vector<128x1024xf32> -> vector<128x1024xf32>
    %slice3A_39 = vector.extract_strided_slice %transpose3A {offsets = [9, 0, 0], sizes = [1, 64, 1024], strides = [1, 1, 1]} : vector<16x64x1024xf32> to vector<1x64x1024xf32>
    %squeeze3A_40 = vector.shape_cast %slice3A_39 : vector<1x64x1024xf32> to vector<64x1024xf32>
    %dot_general3A_41 = arith.constant dense<0.000000e+00> : vector<128x1024xf32>
    %dot_general3A_42 = tpu.matmul %get3A_1, %squeeze3A_40, %dot_general3A_41 {dimension_numbers = #tpu.dot_dimension_numbers<[1], [0], [0], [1], [0, 0, 1, 1], [], []>, transpose_lhs_hint = false} : vector<128x64xf32>, vector<64x1024xf32>, vector<128x1024xf32> -> vector<128x1024xf32>
    %slice3A_43 = vector.extract_strided_slice %transpose3A {offsets = [10, 0, 0], sizes = [1, 64, 1024], strides = [1, 1, 1]} : vector<16x64x1024xf32> to vector<1x64x1024xf32>
    %squeeze3A_44 = vector.shape_cast %slice3A_43 : vector<1x64x1024xf32> to vector<64x1024xf32>
    %dot_general3A_45 = arith.constant dense<0.000000e+00> : vector<128x1024xf32>
    %dot_general3A_46 = tpu.matmul %get3A_1, %squeeze3A_44, %dot_general3A_45 {dimension_numbers = #tpu.dot_dimension_numbers<[1], [0], [0], [1], [0, 0, 1, 1], [], []>, transpose_lhs_hint = false} : vector<128x64xf32>, vector<64x1024xf32>, vector<128x1024xf32> -> vector<128x1024xf32>
    %slice3A_47 = vector.extract_strided_slice %transpose3A {offsets = [11, 0, 0], sizes = [1, 64, 1024], strides = [1, 1, 1]} : vector<16x64x1024xf32> to vector<1x64x1024xf32>
    %squeeze3A_48 = vector.shape_cast %slice3A_47 : vector<1x64x1024xf32> to vector<64x1024xf32>
    %dot_general3A_49 = arith.constant dense<0.000000e+00> : vector<128x1024xf32>
    %dot_general3A_50 = tpu.matmul %get3A_1, %squeeze3A_48, %dot_general3A_49 {dimension_numbers = #tpu.dot_dimension_numbers<[1], [0], [0], [1], [0, 0, 1, 1], [], []>, transpose_lhs_hint = false} : vector<128x64xf32>, vector<64x1024xf32>, vector<128x1024xf32> -> vector<128x1024xf32>
    %slice3A_51 = vector.extract_strided_slice %transpose3A {offsets = [12, 0, 0], sizes = [1, 64, 1024], strides = [1, 1, 1]} : vector<16x64x1024xf32> to vector<1x64x1024xf32>
    %squeeze3A_52 = vector.shape_cast %slice3A_51 : vector<1x64x1024xf32> to vector<64x1024xf32>
    %dot_general3A_53 = arith.constant dense<0.000000e+00> : vector<128x1024xf32>
    %dot_general3A_54 = tpu.matmul %get3A_1, %squeeze3A_52, %dot_general3A_53 {dimension_numbers = #tpu.dot_dimension_numbers<[1], [0], [0], [1], [0, 0, 1, 1], [], []>, transpose_lhs_hint = false} : vector<128x64xf32>, vector<64x1024xf32>, vector<128x1024xf32> -> vector<128x1024xf32>
    %slice3A_55 = vector.extract_strided_slice %transpose3A {offsets = [13, 0, 0], sizes = [1, 64, 1024], strides = [1, 1, 1]} : vector<16x64x1024xf32> to vector<1x64x1024xf32>
    %squeeze3A_56 = vector.shape_cast %slice3A_55 : vector<1x64x1024xf32> to vector<64x1024xf32>
    %dot_general3A_57 = arith.constant dense<0.000000e+00> : vector<128x1024xf32>
    %dot_general3A_58 = tpu.matmul %get3A_1, %squeeze3A_56, %dot_general3A_57 {dimension_numbers = #tpu.dot_dimension_numbers<[1], [0], [0], [1], [0, 0, 1, 1], [], []>, transpose_lhs_hint = false} : vector<128x64xf32>, vector<64x1024xf32>, vector<128x1024xf32> -> vector<128x1024xf32>
    %slice3A_59 = vector.extract_strided_slice %transpose3A {offsets = [14, 0, 0], sizes = [1, 64, 1024], strides = [1, 1, 1]} : vector<16x64x1024xf32> to vector<1x64x1024xf32>
    %squeeze3A_60 = vector.shape_cast %slice3A_59 : vector<1x64x1024xf32> to vector<64x1024xf32>
    %dot_general3A_61 = arith.constant dense<0.000000e+00> : vector<128x1024xf32>
    %dot_general3A_62 = tpu.matmul %get3A_1, %squeeze3A_60, %dot_general3A_61 {dimension_numbers = #tpu.dot_dimension_numbers<[1], [0], [0], [1], [0, 0, 1, 1], [], []>, transpose_lhs_hint = false} : vector<128x64xf32>, vector<64x1024xf32>, vector<128x1024xf32> -> vector<128x1024xf32>
    %slice3A_63 = vector.extract_strided_slice %transpose3A {offsets = [15, 0, 0], sizes = [1, 64, 1024], strides = [1, 1, 1]} : vector<16x64x1024xf32> to vector<1x64x1024xf32>
    %squeeze3A_64 = vector.shape_cast %slice3A_63 : vector<1x64x1024xf32> to vector<64x1024xf32>
    %dot_general3A_65 = arith.constant dense<0.000000e+00> : vector<128x1024xf32>
    %dot_general3A_66 = tpu.matmul %get3A_1, %squeeze3A_64, %dot_general3A_65 {dimension_numbers = #tpu.dot_dimension_numbers<[1], [0], [0], [1], [0, 0, 1, 1], [], []>, transpose_lhs_hint = false} : vector<128x64xf32>, vector<64x1024xf32>, vector<128x1024xf32> -> vector<128x1024xf32>
    %stack3A = vector.shape_cast %dot_general3A_6 : vector<128x1024xf32> to vector<1x128x1024xf32>
    %stack3A_67 = vector.shape_cast %dot_general3A_10 : vector<128x1024xf32> to vector<1x128x1024xf32>
    %stack3A_68 = vector.shape_cast %dot_general3A_14 : vector<128x1024xf32> to vector<1x128x1024xf32>
    %stack3A_69 = vector.shape_cast %dot_general3A_18 : vector<128x1024xf32> to vector<1x128x1024xf32>
    %stack3A_70 = vector.shape_cast %dot_general3A_22 : vector<128x1024xf32> to vector<1x128x1024xf32>
    %stack3A_71 = vector.shape_cast %dot_general3A_26 : vector<128x1024xf32> to vector<1x128x1024xf32>
    %stack3A_72 = vector.shape_cast %dot_general3A_30 : vector<128x1024xf32> to vector<1x128x1024xf32>
    %stack3A_73 = vector.shape_cast %dot_general3A_34 : vector<128x1024xf32> to vector<1x128x1024xf32>
    %stack3A_74 = vector.shape_cast %dot_general3A_38 : vector<128x1024xf32> to vector<1x128x1024xf32>
    %stack3A_75 = vector.shape_cast %dot_general3A_42 : vector<128x1024xf32> to vector<1x128x1024xf32>
    %stack3A_76 = vector.shape_cast %dot_general3A_46 : vector<128x1024xf32> to vector<1x128x1024xf32>
    %stack3A_77 = vector.shape_cast %dot_general3A_50 : vector<128x1024xf32> to vector<1x128x1024xf32>
    %stack3A_78 = vector.shape_cast %dot_general3A_54 : vector<128x1024xf32> to vector<1x128x1024xf32>
    %stack3A_79 = vector.shape_cast %dot_general3A_58 : vector<128x1024xf32> to vector<1x128x1024xf32>
    %stack3A_80 = vector.shape_cast %dot_general3A_62 : vector<128x1024xf32> to vector<1x128x1024xf32>
    %stack3A_81 = vector.shape_cast %dot_general3A_66 : vector<128x1024xf32> to vector<1x128x1024xf32>
    %stack3A_82 = tpu.concatenate %stack3A, %stack3A_67, %stack3A_68, %stack3A_69, %stack3A_70, %stack3A_71, %stack3A_72, %stack3A_73, %stack3A_74, %stack3A_75, %stack3A_76, %stack3A_77, %stack3A_78, %stack3A_79, %stack3A_80, %stack3A_81 in 0 : vector<1x128x1024xf32>, vector<1x128x1024xf32>, vector<1x128x1024xf32>, vector<1x128x1024xf32>, vector<1x128x1024xf32>, vector<1x128x1024xf32>, vector<1x128x1024xf32>, vector<1x128x1024xf32>, vector<1x128x1024xf32>, vector<1x128x1024xf32>, vector<1x128x1024xf32>, vector<1x128x1024xf32>, vector<1x128x1024xf32>, vector<1x128x1024xf32>, vector<1x128x1024xf32>, vector<1x128x1024xf32> -> vector<16x128x1024xf32>
    %transpose3A_83 = tpu.transpose %stack3A_82, [1, 0, 2] : vector<16x128x1024xf32> -> vector<128x16x1024xf32>
    %swap3A = arith.constant 0 : index
    %swap3A_84 = arith.constant 0 : index
    %swap3A_85 = arith.constant 0 : index
    %swap3A_86 = vector.load %arg3[%swap3A, %swap3A_84, %swap3A_85] : memref<128x16x1024xf32, #tpu.memory_space<vmem>>, vector<128x16x1024xf32>
    tpu.vector_store %arg3[%swap3A, %swap3A_84, %swap3A_85], %transpose3A_83 {strides = array<i32>} : memref<128x16x1024xf32, #tpu.memory_space<vmem>>, vector<128x16x1024xf32>,
    return
  }
  func.func @transform_0(%arg0: i32) -> (i32, i32) {
    %c0_i32 = arith.constant 0 : i32
    %c0_i32_0 = arith.constant 0 : i32
    %c0_i32_1 = arith.constant 0 : i32
    return %c0_i32, %c0_i32_0 : i32, i32
  }
  func.func @transform_1(%arg0: i32) -> (i32, i32, i32) {
    %c0_i32 = arith.constant 0 : i32
    %c0_i32_0 = arith.constant 0 : i32
    %c0_i32_1 = arith.constant 0 : i32
    return %c0_i32, %arg0, %c0_i32_0 : i32, i32, i32
  }
  func.func @transform_2(%arg0: i32) -> (i32, i32, i32) {
    %c0_i32 = arith.constant 0 : i32
    %c0_i32_0 = arith.constant 0 : i32
    %c0_i32_1 = arith.constant 0 : i32
    return %c0_i32, %arg0, %c0_i32_0 : i32, i32, i32
  }
}

</mosaic_0001>

<sc_bundles>
// kernel: kernel.4.cloned.1.call-start
scs
__scs_entry_jumppad:
0x0: {  	(pc) =	sbr.rel $0x88, $3  }
0x1: {  	(tag) =	ssettag $0x0;
	lr =	simm.s32 $0x1  }
0x2: {  	[smem:$0x3F9E] =	sst lr;
	_ =	strace $0xD0000000  }
0x3: {  	_ = 	snop  }
0x4: {  	_ = 	snop  }
0x5: {  	_ = 	snop  }
0x6: {  	_ = 	snop  }
0x7: {  	_ = 	snop  }
__scs_overlays_trampoline_lowered:
0x8: {  	[smem:$0x3FAD] =	sst s0  }
0x9: {  	[smem:$0x3FAE] =	sst s1  }
0xa: {  	[smem:$0x3FAF] =	sst s2  }
0xb: {  	[smem:$0x3FB0] =	sst s3  }
0xc: {  	[smem:$0x3FB1] =	sst s4  }
0xd: {  	[smem:$0x3FB2] =	sst s5  }
0xe: {  	[smem:$0x3FB3] =	sst s6  }
0xf: {  	[smem:$0x3FB4] =	sst s7  }
0x10: {  	[smem:$0x3FB5] =	sst s8  }
0x11: {  	[smem:$0x3FB6] =	sst s9;
	s0 =	simm.s32 @!p0 $0x0  }
0x12: {  	s1 =	sld [smem:$0x3F9C];
	s0 =	simm.s32 @p0 $0x1  }
0x13: {  	[smem:$0x3FB7] =	sst s0;
	s0 =	simm.s32 @!p1 $0x0  }
0x14: {  	s2 =	sld [smem:$0x3F9B];
	s0 =	simm.s32 @p1 $0x1  }
0x15: {  	[smem:$0x3FB8] =	sst s0;
	s0 =	simm.s32 @!p2 $0x0  }
0x16: {  	s3 =	sld [smem:$0x3FDB];
	s0 =	simm.s32 @p2 $0x1  }
0x17: {  	s4 =	simm.s32 $0x1BF5;
	[smem:$0x3FBA] =	sst s0  }
0x18: {  	s0 =	sld [smem:$0x3F9D];
	_ =	swait.ge [sflag:s4], $0x0  }
0x19: {  	s7 =	sld [smem:$0x3F9E]  }
0x1a: {  	s8 =	sadd.s32 $0xFFFFE003, lr  }
0x1b: {  	s9 =	sadd.s32 $0xFFFFFEF7, lr;
	s5 =	simm.s32 $0xFFFFFFFF;
	p2 =	slt.u32 s8, $0xFFFFF086  }
0x1c: {  	p1 =	slt.u32 s9, $0xF7A;
	s5 =	simm.s32 @!p2 $0x0  }
0x1d: {  	s5 =	simm.s32 @p1 $0x1;
	p0 =	seq.s32 s7, s2  }
0x1e: {  	s7 =	smul.u32 @!p0 $0xF7A, s2;
	p2 =	seq.s32 @!p0 s5, $0x0  }
0x1f: {  	s9 =	smul.u32 $0xF7A, s1;
	s8 =	simm.s32 @!p0 $0x1BF5;
	p2 =	por !p2, p0  }
0x20: {  	[sflag:s8] =	ssyncset.s32 @!p0 $0xFFFFF086;
	s6 =	sadd.s32 @!p0 s3, s7;
	s7 =	simm.s32 @!p0 $0x108  }
0x21: {  	s3 =	sadd.s32 s3, s9;
	s6 =	sadd.s32 @!p0 $0x88, s6;
	s7 =	simm.s32 @p2 $0x1082  }
0x22: {  	[simem:s7], [sflag:s8] =	dma.local @!p0 [hbm:s6], $0xF7A  }
0x23: {  	s9 =	sor.u32 $0xD0000000, s2;
	s6 =	simm.s32 $0x108;
	_ =	swait.ge @!p0 [sflag:s8], $0x0  }
0x24: {  	s3 =	sadd.s32 $0x88, s3;
	s6 =	simm.s32 @!p1 $0x1082;
	[sflag:s4] =	ssyncset.s32 $0xFFFFF086  }
0x25: {  	[simem:s6], [sflag:s4] =	dma.local [hbm:s3], $0xF7A  }
0x26: {  	[smem:$0x3F9E] =	sst s1;
	(tag) =	ssettag s2;
	_ =	strace s9  }
0x27: {  	s1 =	sld [smem:$0x3FAE]  }
0x28: {  	s2 =	sld [smem:$0x3FAF]  }
0x29: {  	s4 =	sld [smem:$0x3FB1]  }
0x2a: {  	p0 =	seq.s32 s5, $0x0;
	s5 =	sld [smem:$0x3FB2]  }
0x2b: {  	s6 =	sld [smem:$0x3FB3]  }
0x2c: {  	s7 =	sld [smem:$0x3FB4]  }
0x2d: {  	s3 =	simm.s32 $0x108;
	s8 =	sld [smem:$0x3FB5]  }
0x2e: {  	s3 =	simm.s32 @!p0 $0x1082;
	s9 =	sld [smem:$0x3FB6]  }
0x2f: {  	lr =	sadd.s32 s0, s3;
	s0 =	sld [smem:$0x3FAD]  }
0x30: {  	s3 =	sld [smem:$0x3FB0]  }
0x31: {  	[smem:$0x3FB9] =	sst s10  }
0x32: {  	s10 =	sld [smem:$0x3FB7];
	_ =	sdelay $0x3  }
0x33: {  	p0 =	seq.s32 s10, $0x1;
	s10 =	sld [smem:$0x3FB9];
	_ =	sdelay $0x3  }
0x34: {  	[smem:$0x3FB9] =	sst s10  }
0x35: {  	s10 =	sld [smem:$0x3FB8];
	_ =	sdelay $0x3  }
0x36: {  	p1 =	seq.s32 s10, $0x1;
	s10 =	sld [smem:$0x3FB9];
	_ =	sdelay $0x3  }
0x37: {  	[smem:$0x3FB9] =	sst s10  }
0x38: {  	s10 =	sld [smem:$0x3FBA]  }
0x39: {  	_ = 	snop;
	(pc) =	sbr.ind lr, $3  }
0x3a: {  	_ = 	snop  }
0x3b: {  	_ = 	snop  }
0x3c: {  	p2 =	seq.s32 s10, $0x1;
	s10 =	sld [smem:$0x3FB9]  }
0x3d: {  	_ =	shalt  }
0x3e: {  	_ =	shalt  }
0x3f: {  	_ =	shalt  }
0x40: {  	_ =	shalt  }
0x41: {  	_ =	shalt  }
0x42: {  	_ =	shalt  }
0x43: {  	_ =	shalt  }
0x44: {  	_ =	shalt  }
0x45: {  	_ =	shalt  }
0x46: {  	_ =	shalt  }
0x47: {  	_ =	shalt  }
0x48: {  	_ =	shalt  }
0x49: {  	_ =	shalt  }
0x4a: {  	_ =	shalt  }
0x4b: {  	_ =	shalt  }
0x4c: {  	_ =	shalt  }
0x4d: {  	_ =	shalt  }
0x4e: {  	_ =	shalt  }
0x4f: {  	_ =	shalt  }
0x50: {  	_ =	shalt  }
0x51: {  	_ =	shalt  }
0x52: {  	_ =	shalt  }
0x53: {  	_ =	shalt  }
0x54: {  	_ =	shalt  }
0x55: {  	_ =	shalt  }
0x56: {  	_ =	shalt  }
0x57: {  	_ =	shalt  }
0x58: {  	_ =	shalt  }
0x59: {  	_ =	shalt  }
0x5a: {  	_ =	shalt  }
0x5b: {  	_ =	shalt  }
0x5c: {  	_ =	shalt  }
0x5d: {  	_ =	shalt  }
0x5e: {  	_ =	shalt  }
0x5f: {  	_ =	shalt  }
0x60: {  	_ =	shalt  }
0x61: {  	_ =	shalt  }
0x62: {  	_ =	shalt  }
0x63: {  	_ =	shalt  }
0x64: {  	_ =	shalt  }
0x65: {  	_ =	shalt  }
0x66: {  	_ =	shalt  }
0x67: {  	_ =	shalt  }
0x68: {  	_ =	shalt  }
0x69: {  	_ =	shalt  }
0x6a: {  	_ =	shalt  }
0x6b: {  	_ =	shalt  }
0x6c: {  	_ =	shalt  }
0x6d: {  	_ =	shalt  }
0x6e: {  	_ =	shalt  }
0x6f: {  	_ =	shalt  }
0x70: {  	_ =	shalt  }
0x71: {  	_ =	shalt  }
0x72: {  	_ =	shalt  }
0x73: {  	_ =	shalt  }
0x74: {  	_ =	shalt  }
0x75: {  	_ =	shalt  }
0x76: {  	_ =	shalt  }
0x77: {  	_ =	shalt  }
0x78: {  	_ =	shalt  }
0x79: {  	_ =	shalt  }
0x7a: {  	_ =	shalt  }
0x7b: {  	_ =	shalt  }
0x7c: {  	_ =	shalt  }
0x7d: {  	_ =	shalt  }
0x7e: {  	_ =	shalt  }
0x7f: {  	_ =	shalt  }
0x80: {  	_ =	shalt  }
0x81: {  	_ =	shalt  }
0x82: {  	_ =	shalt  }
0x83: {  	_ =	shalt  }
0x84: {  	_ =	shalt  }
0x85: {  	_ =	shalt  }
0x86: {  	_ =	shalt  }
0x87: {  	_ =	shalt  }
.Lfunc_end0:
.L_simem_size_0:
called_computation_lowered:
.L_overlay_start_0:
0x88: {  	s2 =	sld [smem:$0x3FD9]  }
0x89: {  	s3 =	sld [smem:$0x3FFE];
	_ =	sdelay $0x1  }
0x8a: {  	s1 =	srdreg.scid  }
0x8b: {  	s0 =	sand.u32 $0x1, s1  }
0x8c: {  	s17 =	sshll.u32 s0, $0xA;
	s2 =	sadd.s32 s3, s2  }
0x8d: {  	s2 =	sadd.s32 s2, s17  }
0x8e: {  	[smem:$0x3FC5] =	sst s2  }
0x8f: {  	_ = 	snop  }
0x90: {  	s2 =	sld [smem:$0x3FD0];
	(tm) =	ssettm $0x1  }
0x91: {  	s18 =	sld [smem:$0x3FFB];
	_ =	sdelay $0x3  }
0x92: {  	_ =	strace s18  }
0x93: {  	s3 =	sld [smem:$0x3FFC];
	_ =	sdelay $0x3  }
0x94: {  	_ =	strace s3  }
0x95: {  	s3 =	sld [smem:$0x3FFD];
	_ =	sdelay $0x3  }
0x96: {  	_ =	strace s3  }
0x97: {  	_ =	strace $0x8FFFFFFF  }
0x98: {  	s19 =	sld [smem:$0x3FDB];
	_ =	sdelay $0x1  }
0x99: {  	s4 =	simm.s32 $_scs_section_size  }
0x9a: {  	s5 =	simm.s32 $_size__tile_overlayer_lowered;
	s6 =	simm.s32 $_tile_overlayer_lowered  }
0x9b: {  	s22 =	simm.s32 $0x1BFF;
	s21 =	sshll.u32 s6, $0x1;
	s3 =	sadd.s32 s4, s19  }
0x9c: {  	s7 =	simm.s32 $0x0;
	s20 =	sshll.u32 s5, $0x1;
	s5 =	sadd.s32 s21, s3  }
0x9d: {  	[timem:s7], [sflag:s22] =	dma.local [hbm:s5], s20  }
0x9e: {  	_ =	swait.ge [sflag:s22], s20  }
0x9f: {  	s4 =	ssub.s32 $0x0, s20;
	[sflag:s22] =	ssyncset.done $0x0  }
0xa0: {  	[sflag:s22] =	ssyncadd.s32 s4;
	_ =	sdelay $0x1  }
0xa1: {  	s23 =	simm.s32 $0x1B8B  }
0xa2: {  	_ =	swait.ge [sflag:s23], $0x1  }
0xa3: {  	[sflag:s23] =	ssyncset.done $0x0  }
0xa4: {  	s25 =	simm.s32 $0x1B8E;
	s24 =	sld [smem:$0x3FFE];
	[sflag:s23] =	ssyncadd.s32 $0xFFFFFFFF  }
0xa5: {  	s26 =	simm.s32 $execute0_lowered;
	[smem:$0x3FD2] =	sst s25  }
0xa6: {  	s5 =	sshll.u32 s26, $0x1;
	_ =	strace $0x80000046;
	[dreg:$0x1] =	wrdreg $0xFFFFFFFF  }
0xa7: {  	s28 =	simm.s32 $_size_execute0_lowered;
	s3 =	sadd.s32 s3, s5;
	[dreg:$0x0] =	wrdreg $0x0  }
0xa8: {  	s5 =	sshll.u32 s28, $0x1;
	[dreg:$0x2] =	wrdreg s3  }
0xa9: {  	[dreg:$0x3] =	wrdreg s5  }
0xaa: {  	[dreg:$0x4] =	wrdreg $0xC0  }
0xab: {  	_ =	task [dreg:s7], $0x5FFFF  }
0xac: {  	[dreg:$0x1] =	wrdreg $0xFFFFFFFF  }
0xad: {  	[dreg:$0x0] =	wrdreg $0x60  }
0xae: {  	[dreg:$0x2] =	wrdreg s2  }
0xaf: {  	[dreg:$0x3] =	wrdreg s24  }
0xb0: {  	[dreg:$0x4] =	wrdreg $0x9  }
0xb1: {  	_ =	task.clear_ibuf [dreg:s7], $0x5FFFF;
	_ =	strace $0x90000046  }
0xb2: {  	s29 =	simm.s32 $0x9;
	_ =	strace $0x80000048  }
0xb3: {  	_ =	swait.ge [sflag:s29], $0x1  }
0xb4: {  	[sflag:s29] =	ssyncadd.s32 $0xFFFFFFFF  }
0xb5: {  	_ =	strace $0x90000048  }
0xb6: {  	_ =	sfence  }
0xb7: {  	s30 =	sld [smem:$0x0];
	_ =	sdelay $0x2  }
0xb8: {  	s31 =	sshll.u32 s1, $0xD;
	s1 =	sshrl.u32 s1, $0x2  }
0xb9: {  	s3 =	sand.u32 $0x4000, s31;
	s1 =	sadd.s32 s1, s30  }
0xba: {  	s0 =	sor.u32 s3, s0;
	s1 =	sshll.u32 s1, $0x11  }
0xbb: {  	s0 =	sor.u32 s1, s0  }
0xbc: {  	s0 =	sadd.s32 $0x8F2B, s0  }
0xbd: {  	[sflag:s0] =	ssyncadd.remote.s32 $0x1  }
0xbe: {  	_ =	sfence.sel $0xFFFF  }
0xbf: {  	[dreg:$0x0] =	wrdreg $0xFFFFFFFF;
	(pc) =	sbr.abs _section_cstart, $3  }
0xc0: {  	[dreg:$0x1] =	wrdreg $0xFFFFFFFF  }
0xc1: {  	_ =	task.clear_ibuf [dreg:s7], $0x2FFFF;
	_ =	strace $0x9FFFFFFF  }
0xc2: {  	(tm) =	ssettm $0x7FFFFFFF  }
0xc3: {  	_ =	shalt  }
tec
execute0_lowered:
.L_overlay_start_1:
0x0: {  	(tag) =	ssettag $0x1  }
0x1: {  	s5 =	rddreg [dreg:$0x0]  }
0x2: {  	s4 =	rddreg [dreg:$0x1]  }
0x3: {  	s0 =	rddreg [dreg:$0x2];
	s2 =	simm.s32 $0x0;
	s3 =	srdreg.scid  }
0x4: {  	s1 =	stileid.u32;
	s10 =	simm.s32 $0x280;
	s11 =	simm.s32 $0x300  }
0x5: {  	[smem:$0x7FF] =	sst s2;
	s3 =	sand.u32 $0x1, s3;
	s6 =	sshll.u32 s1, $0x3  }
0x6: {  	s29 =	sshll.u32 s1, $0x7;
	_ =	strace $0x80000047;
	s7 =	sshll.u32 s3, $0x2  }
0x7: {  	s8 =	sshll.u32 s3, $0x6;
	s30 =	ssub.s32 $0x2, s3;
	s3 =	sadd.s32 $0xA00, s4  }
0x8: {  	s6 =	sor.u32 s7, s6;
	s7 =	sor.u32 s8, s29;
	s31 =	sshrl.u32 s30, $0x1  }
0x9: {  	s6 =	sadd.s32 s6, s4;
	s9 =	sadd.s32 s7, s4;
	s8 =	ssub.s32 s30, s31  }
0xa: {  	s5 =	sadd.s32 s5, s7;
	s4 =	sadd.s32 $0x800, s6;
	s6 =	sadd.s32 $0xC00, s9  }
0xb: {  	s7 =	smax.u32 s8, $0x1;
	s8 =	simm.s32 $0x1;
	s9 =	simm.s32 $0x80  }
.LBB2_1:
0xc: {  	[tilespmem:s2], [sflag:$0x1] =	stream.linear.gather [hbm4b:s4+s2], $0x20, $0x38;
	[tilespmem:$0x500] =	vst v63  }
0xd: {  	_ =	swait.ge [sflag:s8], $0x20  }
0xe: {  	[sflag:s8] =	ssyncset.done $0x0  }
0xf: {  	[sflag:s8] =	ssyncadd.s32 $0xFFFFFFE0  }
0x10: {  	[tilespmem:s9], [sflag:$0x1] =	stream.linear.gather [hbm4b:s5+s2], $0x200, $0x38;
	[tilespmem:$0x500] =	vst v63  }
0x11: {  	_ =	swait.ge [sflag:s8], $0x200  }
0x12: {  	[sflag:s8] =	ssyncset.done $0x0  }
0x13: {  	[sflag:s8] =	ssyncadd.s32 $0xFFFFFE00  }
0x14: {  	[tilespmem:s10], [sflag:$0x1] =	stream.linear.gather [hbm4b:s3+s2], $0x80, $0x38;
	[tilespmem:$0x500] =	vst v63  }
0x15: {  	_ =	swait.ge [sflag:s8], $0x80  }
0x16: {  	[sflag:s8] =	ssyncset.done $0x0  }
0x17: {  	[sflag:s8] =	ssyncadd.s32 $0xFFFFFF80  }
0x18: {  	v7 =	vld [tilespmem:$0x0];
	_ =	sdelay $0x1  }
0x19: {  	v3 =	vld [tilespmem:$0x280];
	_ =	sdelay $0x2  }
0x1a: {  	v5 =	vbroadcast v7, $0x0;
	v6 =	vbroadcast v7, $0x1  }
0x1b: {  	v8 =	vbroadcast v7, $0x2  }
0x1c: {  	v9 =	vbroadcast v7, $0x3;
	v0 =	vsub.f32 v5, v3;
	v1 =	vsub.f32 v6, v3  }
0x1d: {  	v10 =	vbroadcast v7, $0x4;
	v12 =	vbroadcast v7, $0x5  }
0x1e: {  	v2 =	vsub.f32 v8, v3;
	v0 =	vmul.f32 v0, v0;
	v1 =	vmul.f32 v1, v1  }
0x1f: {  	v13 =	vbroadcast v7, $0x6;
	v15 =	vbroadcast v7, $0x7;
	v4 =	vsub.f32 v9, v3  }
0x20: {  	v2 =	vmul.f32 v2, v2;
	v0 =	vsub.f32 $1.000000000e+00, v0;
	v1 =	vsub.f32 $1.000000000e+00, v1  }
0x21: {  	v11 =	vsub.f32 v10, v3;
	v35 =	vsub.f32 v12, v3;
	v4 =	vmul.f32 v4, v4  }
0x22: {  	v2 =	vsub.f32 $1.000000000e+00, v2;
	v0 =	vmax.f32 v0, $0.0e+00;
	v1 =	vmax.f32 v1, $0.0e+00  }
0x23: {  	v39 =	vsub.f32 v13, v3;
	v34 =	vmul.f32 v11, v11;
	v0 =	vadd.f32 v1, v0  }
0x24: {  	v17 =	vsub.f32 v15, v3;
	v33 =	vsub.f32 $1.000000000e+00, v4;
	v32 =	vmax.f32 v2, $0.0e+00  }
0x25: {  	v4 =	vsub.f32 $1.000000000e+00, v34;
	v1 =	vadd.f32 v0, v32;
	v0 =	vld [tilespmem:$0x290]  }
0x26: {  	v37 =	vmul.f32 v35, v35;
	v17 =	vmul.f32 v17, v17  }
0x27: {  	v2 =	vmax.f32 v33, $0.0e+00;
	v36 =	vmax.f32 v4, $0.0e+00;
	v4 =	vmul.f32 v39, v39  }
0x28: {  	v38 =	vsub.f32 $1.000000000e+00, v37;
	v1 =	vadd.f32 v1, v2  }
0x29: {  	v17 =	vsub.f32 $1.000000000e+00, v17;
	v4 =	vsub.f32 $1.000000000e+00, v4  }
0x2a: {  	v1 =	vadd.f32 v1, v36;
	v40 =	vsub.f32 v5, v0  }
0x2b: {  	v4 =	vmax.f32 v4, $0.0e+00;
	v14 =	vsub.f32 v6, v0;
	v43 =	vsub.f32 v8, v0  }
0x2c: {  	v2 =	vmax.f32 v38, $0.0e+00;
	v16 =	vsub.f32 v9, v0;
	v19 =	vsub.f32 v10, v0  }
0x2d: {  	v44 =	vsub.f32 v12, v0;
	v41 =	vmul.f32 v40, v40;
	v42 =	vmul.f32 v14, v14  }
0x2e: {  	v50 =	vsub.f32 v13, v0;
	v2 =	vadd.f32 v1, v2;
	v14 =	vmul.f32 v43, v43  }
0x2f: {  	v16 =	vmul.f32 v16, v16;
	v1 =	vsub.f32 $1.000000000e+00, v41;
	v11 =	vsub.f32 $1.000000000e+00, v42  }
0x30: {  	v59 =	vsub.f32 v15, v0;
	v19 =	vmul.f32 v19, v19;
	v14 =	vsub.f32 $1.000000000e+00, v14  }
0x31: {  	v16 =	vsub.f32 $1.000000000e+00, v16;
	v18 =	vmax.f32 v1, $0.0e+00;
	v11 =	vmax.f32 v11, $0.0e+00;
	v1 =	vld [tilespmem:$0x2A0]  }
0x32: {  	v45 =	vmul.f32 v44, v44;
	v2 =	vadd.f32 v2, v4;
	v11 =	vadd.f32 v11, v18  }
0x33: {  	v14 =	vmax.f32 v14, $0.0e+00;
	v46 =	vmax.f32 v16, $0.0e+00;
	v16 =	vmul.f32 v50, v50  }
0x34: {  	v47 =	vsub.f32 $1.000000000e+00, v19;
	v11 =	vadd.f32 v11, v14  }
0x35: {  	v48 =	vsub.f32 $1.000000000e+00, v45;
	v54 =	vsub.f32 $1.000000000e+00, v16  }
0x36: {  	v17 =	vmax.f32 v17, $0.0e+00;
	v4 =	vadd.f32 v11, v46;
	v51 =	vsub.f32 v5, v1  }
0x37: {  	v60 =	vmul.f32 v59, v59;
	v52 =	vsub.f32 v6, v1;
	v20 =	vsub.f32 v8, v1  }
0x38: {  	v49 =	vmax.f32 v47, $0.0e+00;
	v57 =	vsub.f32 v9, v1;
	v58 =	vsub.f32 v10, v1  }
0x39: {  	v11 =	vmax.f32 v48, $0.0e+00;
	v21 =	vsub.f32 v12, v1;
	v23 =	vsub.f32 v13, v1  }
0x3a: {  	v28 =	vsub.f32 v15, v1;
	v14 =	vadd.f32 v4, v49;
	v18 =	vmul.f32 v51, v51  }
0x3b: {  	v4 =	vadd.f32 v2, v17;
	v53 =	vmul.f32 v52, v52;
	v56 =	vmul.f32 v20, v20  }
0x3c: {  	v19 =	vmul.f32 v58, v58;
	v63 =	vmul.f32 v21, v21;
	v11 =	vadd.f32 v14, v11  }
0x3d: {  	v20 =	vbroadcast v7, $0xC;
	v55 =	vsub.f32 $1.000000000e+00, v18;
	v2 =	vsub.f32 $1.000000000e+00, v53  }
0x3e: {  	v17 =	vsub.f32 $1.000000000e+00, v56;
	v18 =	vmul.f32 v57, v57;
	v62 =	vsub.f32 $1.000000000e+00, v19  }
0x3f: {  	v22 =	vsub.f32 $1.000000000e+00, v63;
	v19 =	vmul.f32 v23, v23;
	v63 =	vsub.f32 v20, v0  }
0x40: {  	v23 =	vsub.f32 v20, v1;
	v16 =	vmax.f32 v55, $0.0e+00;
	v2 =	vmax.f32 v2, $0.0e+00  }
0x41: {  	v14 =	vmax.f32 v54, $0.0e+00;
	v18 =	vsub.f32 $1.000000000e+00, v18;
	v16 =	vadd.f32 v2, v16;
	v2 =	vld [tilespmem:$0x2B0]  }
0x42: {  	v17 =	vmax.f32 v17, $0.0e+00;
	v11 =	vadd.f32 v11, v14;
	v14 =	vsub.f32 $1.000000000e+00, v60  }
0x43: {  	v27 =	vsub.f32 $1.000000000e+00, v19;
	v16 =	vadd.f32 v16, v17;
	v17 =	vmul.f32 v28, v28  }
0x44: {  	v61 =	vmax.f32 v18, $0.0e+00;
	v18 =	vmax.f32 v22, $0.0e+00;
	v22 =	vsub.f32 v20, v3  }
0x45: {  	v16 =	vadd.f32 v16, v61;
	v17 =	vsub.f32 $1.000000000e+00, v17  }
0x46: {  	v14 =	vmax.f32 v14, $0.0e+00;
	v24 =	vsub.f32 v5, v2;
	v6 =	vsub.f32 v6, v2  }
0x47: {  	v5 =	vadd.f32 v11, v14;
	v8 =	vsub.f32 v8, v2  }
0x48: {  	v43 =	vmul.f32 v22, v22;
	v9 =	vsub.f32 v9, v2;
	v10 =	vsub.f32 v10, v2  }
0x49: {  	v21 =	vmax.f32 v62, $0.0e+00;
	v12 =	vsub.f32 v12, v2;
	v13 =	vsub.f32 v13, v2  }
0x4a: {  	v29 =	vmax.f32 v27, $0.0e+00;
	v38 =	vsub.f32 v15, v2;
	v46 =	vsub.f32 $1.000000000e+00, v43  }
0x4b: {  	v33 =	vmax.f32 v17, $0.0e+00;
	v17 =	vbroadcast v7, $0xB;
	v26 =	vmul.f32 v24, v24  }
0x4c: {  	v16 =	vadd.f32 v16, v21;
	v6 =	vmul.f32 v6, v6;
	v8 =	vmul.f32 v8, v8  }
0x4d: {  	v20 =	vsub.f32 v20, v2;
	v9 =	vmul.f32 v9, v9;
	v10 =	vmul.f32 v10, v10  }
0x4e: {  	v32 =	vmul.f32 v12, v12;
	v35 =	vmul.f32 v13, v13;
	v25 =	vadd.f32 v16, v18  }
0x4f: {  	v13 =	vmul.f32 v38, v38;
	v41 =	vsub.f32 v17, v3;
	v62 =	vsub.f32 v17, v0  }
0x50: {  	v49 =	vmax.f32 v46, $0.0e+00;
	v14 =	vsub.f32 $1.000000000e+00, v26;
	v6 =	vsub.f32 $1.000000000e+00, v6  }
0x51: {  	v20 =	vmul.f32 v20, v20;
	v8 =	vsub.f32 $1.000000000e+00, v8;
	v9 =	vsub.f32 $1.000000000e+00, v9  }
0x52: {  	v16 =	vbroadcast v7, $0xA;
	v30 =	vsub.f32 $1.000000000e+00, v10;
	v11 =	vsub.f32 $1.000000000e+00, v32  }
0x53: {  	v13 =	vsub.f32 $1.000000000e+00, v13;
	v26 =	vmul.f32 v63, v63;
	v31 =	vadd.f32 v25, v29  }
0x54: {  	v39 =	vsub.f32 v16, v3;
	v19 =	vmul.f32 v41, v41;
	v56 =	vsub.f32 v16, v0  }
0x55: {  	v14 =	vmax.f32 v14, $0.0e+00;
	v6 =	vmax.f32 v6, $0.0e+00;
	v8 =	vmax.f32 v8, $0.0e+00  }
0x56: {  	v9 =	vmax.f32 v9, $0.0e+00;
	v34 =	vmax.f32 v11, $0.0e+00;
	v11 =	vsub.f32 $1.000000000e+00, v35  }
0x57: {  	v35 =	vsub.f32 v17, v1;
	v6 =	vadd.f32 v6, v14;
	v14 =	vbroadcast v7, $0x8  }
0x58: {  	v17 =	vsub.f32 v17, v2;
	v15 =	vmul.f32 v39, v39;
	v19 =	vsub.f32 $1.000000000e+00, v19  }
0x59: {  	v13 =	vmax.f32 v13, $0.0e+00;
	v6 =	vadd.f32 v6, v8;
	v36 =	vsub.f32 v14, v3  }
0x5a: {  	v17 =	vmul.f32 v17, v17;
	v15 =	vsub.f32 $1.000000000e+00, v15;
	v54 =	vsub.f32 v14, v0  }
0x5b: {  	v61 =	vmul.f32 v56, v56;
	v32 =	vsub.f32 v14, v1;
	v14 =	vsub.f32 v14, v2  }
0x5c: {  	v8 =	vmax.f32 v30, $0.0e+00;
	v17 =	vsub.f32 $1.000000000e+00, v17;
	v9 =	vadd.f32 v6, v9  }
0x5d: {  	v6 =	vadd.f32 v31, v33;
	v12 =	vmul.f32 v36, v36;
	v21 =	vmul.f32 v54, v54  }
0x5e: {  	v36 =	vmul.f32 v23, v23;
	v14 =	vmul.f32 v14, v14;
	v8 =	vadd.f32 v9, v8  }
0x5f: {  	v9 =	vbroadcast v7, $0x9;
	v40 =	vsub.f32 $1.000000000e+00, v12;
	v60 =	vsub.f32 $1.000000000e+00, v21  }
0x60: {  	v12 =	vbroadcast v7, $0xD;
	v39 =	vsub.f32 $1.000000000e+00, v36;
	v14 =	vsub.f32 $1.000000000e+00, v14  }
0x61: {  	v21 =	vmul.f32 v62, v62;
	v10 =	vadd.f32 v8, v34;
	v37 =	vsub.f32 v9, v3  }
0x62: {  	v11 =	vmax.f32 v11, $0.0e+00;
	v44 =	vsub.f32 v12, v3;
	v55 =	vsub.f32 v9, v0  }
0x63: {  	v45 =	vmax.f32 v19, $0.0e+00;
	v25 =	vsub.f32 $1.000000000e+00, v21;
	v27 =	vsub.f32 v12, v0  }
0x64: {  	v15 =	vmax.f32 v15, $0.0e+00;
	v21 =	vsub.f32 $1.000000000e+00, v26;
	v33 =	vsub.f32 v9, v1  }
0x65: {  	v18 =	vmax.f32 v40, $0.0e+00;
	v34 =	vsub.f32 v16, v1;
	v9 =	vsub.f32 v9, v2  }
0x66: {  	v16 =	vsub.f32 v16, v2;
	v14 =	vmax.f32 v14, $0.0e+00;
	v8 =	vmul.f32 v37, v37  }
0x67: {  	v47 =	vmul.f32 v44, v44;
	v10 =	vadd.f32 v10, v11;
	v11 =	vbroadcast v7, $0xF  }
0x68: {  	v58 =	vmul.f32 v55, v55;
	v22 =	vmul.f32 v27, v27;
	v29 =	vmax.f32 v21, $0.0e+00  }
0x69: {  	v21 =	vmul.f32 v32, v32;
	v37 =	vsub.f32 v12, v1;
	v12 =	vsub.f32 v12, v2  }
0x6a: {  	v9 =	vmul.f32 v9, v9;
	v8 =	vsub.f32 $1.000000000e+00, v8;
	v50 =	vsub.f32 $1.000000000e+00, v47  }
0x6b: {  	v16 =	vmul.f32 v16, v16;
	v59 =	vsub.f32 v11, v3;
	v30 =	vsub.f32 $1.000000000e+00, v22  }
0x6c: {  	v31 =	vsub.f32 v11, v0;
	v21 =	vsub.f32 $1.000000000e+00, v21;
	v22 =	vmul.f32 v35, v35  }
0x6d: {  	v40 =	vmul.f32 v37, v37;
	v9 =	vsub.f32 $1.000000000e+00, v9;
	v16 =	vsub.f32 $1.000000000e+00, v16  }
0x6e: {  	v47 =	vsub.f32 v11, v1;
	v11 =	vsub.f32 v11, v2;
	v42 =	vmax.f32 v8, $0.0e+00  }
0x6f: {  	v8 =	vbroadcast v7, $0xE;
	v52 =	vmax.f32 v50, $0.0e+00;
	v7 =	vadd.f32 v10, v13  }
0x70: {  	v13 =	vsub.f32 $1.000000000e+00, v58;
	v21 =	vmax.f32 v21, $0.0e+00;
	v38 =	vsub.f32 $1.000000000e+00, v22  }
0x71: {  	v41 =	vsub.f32 $1.000000000e+00, v40;
	v46 =	vmax.f32 v9, $0.0e+00;
	v50 =	vsub.f32 $1.000000000e+00, v20  }
0x72: {  	v16 =	vmax.f32 v16, $0.0e+00;
	v18 =	vadd.f32 v42, v18;
	v14 =	vadd.f32 v46, v14  }
0x73: {  	v11 =	vmul.f32 v11, v11;
	v48 =	vsub.f32 v8, v3;
	v28 =	vsub.f32 v8, v0  }
0x74: {  	v26 =	vld [tilespmem:$0xB0];
	v13 =	vmax.f32 v13, $0.0e+00;
	v42 =	vsub.f32 v8, v1;
	v8 =	vsub.f32 v8, v2  }
0x75: {  	v43 =	vmax.f32 v41, $0.0e+00;
	v11 =	vsub.f32 $1.000000000e+00, v11;
	v15 =	vadd.f32 v18, v15  }
0x76: {  	v18 =	vmax.f32 v60, $0.0e+00;
	v14 =	vadd.f32 v14, v16;
	v51 =	vmul.f32 v48, v48  }
0x77: {  	v9 =	vld [tilespmem:$0x10];
	v13 =	vadd.f32 v13, v18;
	v18 =	vmul.f32 v28, v28;
	v44 =	vmul.f32 v42, v42  }
0x78: {  	v8 =	vmul.f32 v8, v8;
	v15 =	vadd.f32 v15, v45;
	v53 =	vsub.f32 $1.000000000e+00, v51  }
0x79: {  	v7 =	vmul.f32 v7, v26;
	v48 =	vld [tilespmem:$0x80];
	v18 =	vsub.f32 $1.000000000e+00, v18;
	v45 =	vsub.f32 $1.000000000e+00, v44  }
0x7a: {  	v28 =	vld [tilespmem:$0xA0];
	v11 =	vmax.f32 v11, $0.0e+00;
	v8 =	vsub.f32 $1.000000000e+00, v8;
	v15 =	vadd.f32 v15, v49  }
0x7b: {  	v49 =	vmax.f32 v17, $0.0e+00;
	v17 =	vmax.f32 v50, $0.0e+00;
	v19 =	vmax.f32 v53, $0.0e+00  }
0x7c: {  	v18 =	vmax.f32 v18, $0.0e+00;
	v16 =	vadd.f32 v14, v49;
	v14 =	vbroadcast v9, $0x0  }
0x7d: {  	v8 =	vmax.f32 v8, $0.0e+00;
	v15 =	vadd.f32 v15, v52;
	v52 =	vmul.f32 v12, v12  }
0x7e: {  	v12 =	vbroadcast v9, $0x1;
	v4 =	vmul.f32 v4, v48;
	v17 =	vadd.f32 v16, v17  }
0x7f: {  	v6 =	vmul.f32 v6, v28;
	v55 =	vsub.f32 v14, v3;
	v36 =	vsub.f32 v14, v0  }
0x80: {  	v53 =	vld [tilespmem:$0x90];
	v16 =	vbroadcast v9, $0x2;
	v57 =	vadd.f32 v15, v19;
	v19 =	vsub.f32 $1.000000000e+00, v61  }
0x81: {  	v15 =	vmul.f32 v59, v59;
	v54 =	vsub.f32 $1.000000000e+00, v52;
	v56 =	vsub.f32 v12, v3  }
0x82: {  	v37 =	vsub.f32 v12, v0;
	v59 =	vmul.f32 v55, v55;
	v24 =	vmax.f32 v19, $0.0e+00  }
0x83: {  	v61 =	vsub.f32 v16, v3;
	v40 =	vmul.f32 v36, v36;
	v13 =	vadd.f32 v13, v24  }
0x84: {  	v42 =	vsub.f32 v16, v0;
	v15 =	vsub.f32 $1.000000000e+00, v15;
	v19 =	vmax.f32 v25, $0.0e+00  }
0x85: {  	v60 =	vmul.f32 v56, v56;
	v5 =	vmul.f32 v5, v53;
	v19 =	vadd.f32 v13, v19  }
0x86: {  	v41 =	vmul.f32 v37, v37;
	v53 =	vsub.f32 v14, v1;
	v14 =	vsub.f32 v14, v2  }
0x87: {  	v62 =	vsub.f32 $1.000000000e+00, v59;
	v15 =	vmax.f32 v15, $0.0e+00;
	v10 =	vadd.f32 v19, v29  }
0x88: {  	v20 =	vmul.f32 v61, v61;
	v13 =	vadd.f32 v57, v15;
	v15 =	vmax.f32 v30, $0.0e+00  }
0x89: {  	v23 =	vsub.f32 $1.000000000e+00, v41;
	v10 =	vadd.f32 v10, v15;
	v15 =	vmul.f32 v33, v33  }
0x8a: {  	v14 =	vmul.f32 v14, v14;
	v57 =	vmax.f32 v54, $0.0e+00;
	v20 =	vsub.f32 $1.000000000e+00, v20  }
0x8b: {  	v10 =	vadd.f32 v10, v18;
	v15 =	vsub.f32 $1.000000000e+00, v15;
	v18 =	vmul.f32 v34, v34  }
0x8c: {  	v54 =	vsub.f32 v12, v1;
	v12 =	vsub.f32 v12, v2;
	v19 =	vmul.f32 v31, v31  }
0x8d: {  	v58 =	vadd.f32 v17, v57;
	v15 =	vmax.f32 v15, $0.0e+00;
	v18 =	vsub.f32 $1.000000000e+00, v18  }
0x8e: {  	v17 =	vbroadcast v9, $0x4;
	v19 =	vsub.f32 $1.000000000e+00, v19;
	v15 =	vadd.f32 v15, v21  }
0x8f: {  	v23 =	vmax.f32 v23, $0.0e+00;
	v14 =	vsub.f32 $1.000000000e+00, v14;
	v18 =	vmax.f32 v18, $0.0e+00  }
0x90: {  	v20 =	vmax.f32 v20, $0.0e+00;
	v19 =	vmax.f32 v19, $0.0e+00;
	v15 =	vadd.f32 v15, v18  }
0x91: {  	v25 =	vsub.f32 v17, v3;
	v33 =	vld [tilespmem:$0x100];
	v10 =	vadd.f32 v10, v19;
	v19 =	vmax.f32 v38, $0.0e+00  }
0x92: {  	v56 =	vmul.f32 v54, v54;
	v8 =	vadd.f32 v58, v8;
	v15 =	vadd.f32 v15, v19  }
0x93: {  	v28 =	vsub.f32 v17, v0;
	v25 =	vmul.f32 v25, v25;
	v18 =	vmax.f32 v39, $0.0e+00  }
0x94: {  	v14 =	vmax.f32 v14, $0.0e+00;
	v27 =	vadd.f32 v8, v11;
	v15 =	vadd.f32 v15, v18  }
0x95: {  	v28 =	vmul.f32 v28, v28;
	v30 =	vsub.f32 $1.000000000e+00, v25;
	v21 =	vmul.f32 v47, v47  }
0x96: {  	v8 =	vmul.f32 v13, v33;
	v13 =	vmul.f32 v42, v42;
	v15 =	vadd.f32 v15, v43  }
0x97: {  	v48 =	vsub.f32 $1.000000000e+00, v28;
	v51 =	vsub.f32 $1.000000000e+00, v21;
	v18 =	vmax.f32 v45, $0.0e+00  }
0x98: {  	v28 =	vmul.f32 v53, v53;
	v13 =	vsub.f32 $1.000000000e+00, v13;
	v15 =	vadd.f32 v15, v18  }
0x99: {  	v19 =	vmax.f32 v62, $0.0e+00;
	v62 =	vsub.f32 v17, v1;
	v18 =	vmax.f32 v51, $0.0e+00  }
0x9a: {  	v17 =	vsub.f32 v17, v2;
	v51 =	vld [tilespmem:$0x110];
	v22 =	vadd.f32 v15, v18;
	v15 =	vbroadcast v9, $0x3  }
0x9b: {  	v58 =	vsub.f32 $1.000000000e+00, v28;
	v13 =	vmax.f32 v13, $0.0e+00;
	v18 =	vsub.f32 $1.000000000e+00, v60  }
0x9c: {  	v33 =	vmul.f32 v62, v62;
	v17 =	vmul.f32 v17, v17;
	v63 =	vsub.f32 v15, v3  }
0x9d: {  	v24 =	vmax.f32 v18, $0.0e+00;
	v18 =	vbroadcast v9, $0x5;
	v43 =	vsub.f32 v15, v0  }
0x9e: {  	v60 =	vsub.f32 v15, v1;
	v19 =	vadd.f32 v24, v19;
	v24 =	vbroadcast v9, $0x7  }
0x9f: {  	v15 =	vsub.f32 v15, v2;
	v10 =	vmul.f32 v51, v10;
	v21 =	vmul.f32 v63, v63  }
0xa0: {  	v31 =	vsub.f32 v18, v3;
	v25 =	vmul.f32 v43, v43;
	v45 =	vsub.f32 v18, v0  }
0xa1: {  	v43 =	vmul.f32 v12, v12;
	v15 =	vmul.f32 v15, v15;
	v19 =	vadd.f32 v19, v20  }
0xa2: {  	v44 =	vsub.f32 v24, v3;
	v21 =	vsub.f32 $1.000000000e+00, v21;
	v32 =	vmul.f32 v31, v31  }
0xa3: {  	v25 =	vsub.f32 $1.000000000e+00, v25;
	v46 =	vmul.f32 v45, v45;
	v15 =	vsub.f32 $1.000000000e+00, v15  }
0xa4: {  	v45 =	vsub.f32 $1.000000000e+00, v17;
	v26 =	vmul.f32 v44, v44;
	v44 =	vsub.f32 v24, v1  }
0xa5: {  	v29 =	vmax.f32 v21, $0.0e+00;
	v21 =	vmax.f32 v30, $0.0e+00;
	v34 =	vsub.f32 $1.000000000e+00, v32  }
0xa6: {  	v47 =	vmax.f32 v25, $0.0e+00;
	v50 =	vsub.f32 $1.000000000e+00, v46;
	v30 =	vsub.f32 v24, v0  }
0xa7: {  	v15 =	vmax.f32 v15, $0.0e+00;
	v20 =	vadd.f32 v19, v29;
	v26 =	vsub.f32 $1.000000000e+00, v26  }
0xa8: {  	v19 =	vbroadcast v9, $0x6;
	v29 =	vsub.f32 v16, v1;
	v16 =	vsub.f32 v16, v2  }
0xa9: {  	v38 =	vmax.f32 v34, $0.0e+00;
	v34 =	vsub.f32 v18, v1;
	v18 =	vsub.f32 v18, v2  }
0xaa: {  	v30 =	vmul.f32 v30, v30;
	v20 =	vadd.f32 v20, v21;
	v35 =	vsub.f32 v19, v3  }
0xab: {  	v21 =	vsub.f32 $1.000000000e+00, v40;
	v49 =	vmax.f32 v26, $0.0e+00;
	v59 =	vmul.f32 v29, v29  }
0xac: {  	v52 =	vsub.f32 v19, v0;
	v16 =	vmul.f32 v16, v16;
	v36 =	vmul.f32 v34, v34  }
0xad: {  	v37 =	vsub.f32 $1.000000000e+00, v30;
	v46 =	vmul.f32 v18, v18;
	v21 =	vmax.f32 v21, $0.0e+00  }
0xae: {  	v39 =	vmul.f32 v35, v35;
	v20 =	vadd.f32 v20, v38;
	v21 =	vadd.f32 v23, v21  }
0xaf: {  	v26 =	vmul.f32 v52, v52;
	v35 =	vsub.f32 $1.000000000e+00, v33;
	v16 =	vsub.f32 $1.000000000e+00, v16  }
0xb0: {  	v23 =	vmax.f32 v48, $0.0e+00;
	v11 =	vsub.f32 $1.000000000e+00, v39;
	v13 =	vadd.f32 v21, v13  }
0xb1: {  	v48 =	vmax.f32 v45, $0.0e+00;
	v57 =	vsub.f32 $1.000000000e+00, v26;
	v26 =	vsub.f32 $1.000000000e+00, v59  }
0xb2: {  	v38 =	vld [tilespmem:$0x130];
	v39 =	vsub.f32 v19, v1;
	v16 =	vmax.f32 v16, $0.0e+00;
	v13 =	vadd.f32 v13, v47  }
0xb3: {  	v21 =	vmul.f32 v60, v60;
	v60 =	vsub.f32 v24, v2;
	v11 =	vmax.f32 v11, $0.0e+00  }
0xb4: {  	v63 =	vmax.f32 v26, $0.0e+00;
	v26 =	vsub.f32 $1.000000000e+00, v36;
	v13 =	vadd.f32 v13, v23  }
0xb5: {  	v11 =	vadd.f32 v20, v11;
	v20 =	vmax.f32 v50, $0.0e+00;
	v21 =	vsub.f32 $1.000000000e+00, v21  }
0xb6: {  	v61 =	vld [tilespmem:$0x120];
	v41 =	vmul.f32 v39, v39;
	v55 =	vadd.f32 v13, v20;
	v13 =	vsub.f32 $1.000000000e+00, v56  }
0xb7: {  	v12 =	vmul.f32 v38, v27;
	v50 =	vsub.f32 v19, v2;
	v19 =	vbroadcast v9, $0x8  }
0xb8: {  	v27 =	vbroadcast v9, $0xB;
	v23 =	vmax.f32 v58, $0.0e+00;
	v13 =	vmax.f32 v13, $0.0e+00  }
0xb9: {  	v40 =	vmax.f32 v26, $0.0e+00;
	v42 =	vsub.f32 $1.000000000e+00, v41;
	v13 =	vadd.f32 v13, v23  }
0xba: {  	v25 =	vadd.f32 v11, v49;
	v21 =	vmax.f32 v21, $0.0e+00;
	v54 =	vmul.f32 v50, v50  }
0xbb: {  	v11 =	vmul.f32 v61, v22;
	v49 =	vsub.f32 $1.000000000e+00, v46;
	v13 =	vadd.f32 v13, v63  }
0xbc: {  	v46 =	vsub.f32 v19, v0;
	v20 =	vmax.f32 v57, $0.0e+00;
	v58 =	vsub.f32 $1.000000000e+00, v54  }
0xbd: {  	v22 =	vmax.f32 v37, $0.0e+00;
	v20 =	vadd.f32 v55, v20;
	v13 =	vadd.f32 v13, v21  }
0xbe: {  	v55 =	vsub.f32 v19, v3;
	v23 =	vmax.f32 v35, $0.0e+00;
	v21 =	vmul.f32 v44, v44  }
0xbf: {  	v53 =	vmax.f32 v49, $0.0e+00;
	v63 =	vsub.f32 v27, v3;
	v13 =	vadd.f32 v13, v23  }
0xc0: {  	v29 =	vmul.f32 v46, v46;
	v23 =	vsub.f32 $1.000000000e+00, v43;
	v21 =	vsub.f32 $1.000000000e+00, v21  }
0xc1: {  	v26 =	vmax.f32 v58, $0.0e+00;
	v20 =	vadd.f32 v20, v22;
	v13 =	vadd.f32 v13, v40  }
0xc2: {  	v43 =	vld [tilespmem:$0x190];
	v23 =	vmax.f32 v23, $0.0e+00;
	v47 =	vmax.f32 v21, $0.0e+00;
	v21 =	vmul.f32 v63, v63  }
0xc3: {  	v51 =	vld [tilespmem:$0x180];
	v22 =	vmax.f32 v42, $0.0e+00;
	v14 =	vadd.f32 v23, v14;
	v23 =	vbroadcast v9, $0xA  }
0xc4: {  	v59 =	vmul.f32 v55, v55;
	v13 =	vadd.f32 v13, v22;
	v21 =	vsub.f32 $1.000000000e+00, v21  }
0xc5: {  	v22 =	vbroadcast v9, $0x9;
	v14 =	vadd.f32 v14, v16;
	v62 =	vsub.f32 v23, v3  }
0xc6: {  	v16 =	vmul.f32 v60, v60;
	v60 =	vsub.f32 v19, v1;
	v31 =	vsub.f32 v23, v1  }
0xc7: {  	v20 =	vmul.f32 v43, v20;
	v19 =	vsub.f32 v19, v2;
	v43 =	vsub.f32 v27, v2  }
0xc8: {  	v18 =	vadd.f32 v13, v47;
	v57 =	vsub.f32 v22, v3;
	v13 =	vmul.f32 v51, v25  }
0xc9: {  	v25 =	vbroadcast v9, $0xC;
	v47 =	vsub.f32 v22, v0;
	v51 =	vsub.f32 $1.000000000e+00, v29  }
0xca: {  	v14 =	vadd.f32 v14, v15;
	v24 =	vmul.f32 v62, v62;
	v16 =	vsub.f32 $1.000000000e+00, v16  }
0xcb: {  	v15 =	vbroadcast v9, $0xD;
	v34 =	vsub.f32 v25, v3;
	v54 =	vsub.f32 v25, v0  }
0xcc: {  	v50 =	vmul.f32 v47, v47;
	v47 =	vsub.f32 v25, v2;
	v52 =	vadd.f32 v14, v48  }
0xcd: {  	v19 =	vmul.f32 v19, v19;
	v14 =	vsub.f32 $1.000000000e+00, v59;
	v24 =	vsub.f32 $1.000000000e+00, v24  }
0xce: {  	v61 =	vmul.f32 v57, v57;
	v36 =	vsub.f32 v15, v3;
	v48 =	vsub.f32 v23, v0  }
0xcf: {  	v21 =	vmax.f32 v21, $0.0e+00;
	v57 =	vsub.f32 v15, v0;
	v23 =	vsub.f32 v23, v2  }
0xd0: {  	v16 =	vmax.f32 v16, $0.0e+00;
	v19 =	vsub.f32 $1.000000000e+00, v19;
	v32 =	vsub.f32 $1.000000000e+00, v61  }
0xd1: {  	v35 =	vmul.f32 v34, v34;
	v61 =	vsub.f32 v22, v1;
	v34 =	vsub.f32 v27, v1  }
0xd2: {  	v22 =	vsub.f32 v22, v2;
	v56 =	vadd.f32 v52, v53;
	v33 =	vmax.f32 v14, $0.0e+00  }
0xd3: {  	v62 =	vld [tilespmem:$0x1A0];
	v14 =	vbroadcast v9, $0xE;
	v24 =	vmax.f32 v24, $0.0e+00;
	v38 =	vmul.f32 v36, v36  }
0xd4: {  	v9 =	vbroadcast v9, $0xF;
	v52 =	vmul.f32 v48, v48;
	v28 =	vmax.f32 v32, $0.0e+00  }
0xd5: {  	v53 =	vsub.f32 v27, v0;
	v29 =	vmul.f32 v57, v57;
	v28 =	vadd.f32 v28, v33  }
0xd6: {  	v23 =	vmul.f32 v23, v23;
	v19 =	vmax.f32 v19, $0.0e+00;
	v37 =	vsub.f32 $1.000000000e+00, v35  }
0xd7: {  	v30 =	vmul.f32 v61, v61;
	v39 =	vsub.f32 v14, v3;
	v24 =	vadd.f32 v28, v24  }
0xd8: {  	v18 =	vmul.f32 v62, v18;
	v41 =	vsub.f32 $1.000000000e+00, v38;
	v17 =	vadd.f32 v56, v26  }
0xd9: {  	v22 =	vmul.f32 v22, v22;
	v3 =	vsub.f32 v9, v3;
	v21 =	vadd.f32 v24, v21  }
0xda: {  	v58 =	vsub.f32 v14, v0;
	v40 =	vmax.f32 v37, $0.0e+00;
	v42 =	vmul.f32 v39, v39  }
0xdb: {  	v26 =	vmax.f32 v51, $0.0e+00;
	v29 =	vsub.f32 $1.000000000e+00, v29;
	v21 =	vadd.f32 v21, v40  }
0xdc: {  	v23 =	vsub.f32 $1.000000000e+00, v23;
	v44 =	vmax.f32 v41, $0.0e+00;
	v45 =	vsub.f32 $1.000000000e+00, v42  }
0xdd: {  	v56 =	vmul.f32 v54, v54;
	v0 =	vsub.f32 v9, v0;
	v21 =	vadd.f32 v21, v44  }
0xde: {  	v63 =	vsub.f32 $1.000000000e+00, v30;
	v22 =	vsub.f32 $1.000000000e+00, v22;
	v28 =	vmax.f32 v45, $0.0e+00  }
0xdf: {  	v33 =	vmul.f32 v31, v31;
	v49 =	vadd.f32 v21, v28;
	v21 =	vsub.f32 $1.000000000e+00, v50  }
0xe0: {  	v16 =	vadd.f32 v17, v16;
	v3 =	vmul.f32 v3, v3;
	v59 =	vmul.f32 v58, v58  }
0xe1: {  	v24 =	vmul.f32 v53, v53;
	v28 =	vsub.f32 $1.000000000e+00, v52;
	v21 =	vmax.f32 v21, $0.0e+00  }
0xe2: {  	v38 =	vsub.f32 $1.000000000e+00, v33;
	v39 =	vmul.f32 v34, v34;
	v21 =	vadd.f32 v21, v26  }
0xe3: {  	v3 =	vsub.f32 $1.000000000e+00, v3;
	v24 =	vsub.f32 $1.000000000e+00, v24;
	v55 =	vmax.f32 v28, $0.0e+00  }
0xe4: {  	v22 =	vmax.f32 v22, $0.0e+00;
	v41 =	vsub.f32 $1.000000000e+00, v39;
	v21 =	vadd.f32 v21, v55  }
0xe5: {  	v42 =	vsub.f32 v25, v1;
	v24 =	vmax.f32 v24, $0.0e+00;
	v28 =	vsub.f32 $1.000000000e+00, v56  }
0xe6: {  	v29 =	vmax.f32 v29, $0.0e+00;
	v19 =	vadd.f32 v22, v19;
	v21 =	vadd.f32 v21, v24  }
0xe7: {  	v53 =	vsub.f32 v14, v1;
	v26 =	vmul.f32 v60, v60;
	v28 =	vmax.f32 v28, $0.0e+00  }
0xe8: {  	v0 =	vmul.f32 v0, v0;
	v14 =	vsub.f32 v14, v2;
	v21 =	vadd.f32 v21, v28  }
0xe9: {  	v23 =	vmax.f32 v23, $0.0e+00;
	v26 =	vsub.f32 $1.000000000e+00, v26;
	v24 =	vsub.f32 $1.000000000e+00, v59  }
0xea: {  	v37 =	vmax.f32 v63, $0.0e+00;
	v0 =	vsub.f32 $1.000000000e+00, v0;
	v21 =	vadd.f32 v21, v29  }
0xeb: {  	v3 =	vmax.f32 v3, $0.0e+00;
	v36 =	vmax.f32 v26, $0.0e+00;
	v24 =	vmax.f32 v24, $0.0e+00  }
0xec: {  	v40 =	vmax.f32 v38, $0.0e+00;
	v35 =	vadd.f32 v21, v24;
	v21 =	vadd.f32 v37, v36  }
0xed: {  	[tilespmem:$0x310] =	vst v5;
	v19 =	vadd.f32 v19, v23;
	v5 =	vmul.f32 v53, v53;
	v57 =	vmul.f32 v14, v14  }
0xee: {  	v0 =	vmax.f32 v0, $0.0e+00;
	v44 =	vsub.f32 v15, v1;
	v21 =	vadd.f32 v21, v40  }
0xef: {  	v15 =	vsub.f32 v15, v2;
	v1 =	vsub.f32 v9, v1;
	v26 =	vmax.f32 v41, $0.0e+00  }
0xf0: {  	v2 =	vsub.f32 v9, v2;
	v21 =	vadd.f32 v21, v26;
	v26 =	vmul.f32 v43, v43  }
0xf1: {  	[tilespmem:$0x380] =	vst v8;
	v5 =	vsub.f32 $1.000000000e+00, v5;
	v8 =	vsub.f32 $1.000000000e+00, v57;
	v24 =	vmul.f32 v42, v42  }
0xf2: {  	v3 =	vadd.f32 v49, v3;
	v49 =	vmul.f32 v47, v47;
	v26 =	vsub.f32 $1.000000000e+00, v26  }
0xf3: {  	v48 =	vmul.f32 v44, v44;
	v15 =	vmul.f32 v15, v15;
	v24 =	vsub.f32 $1.000000000e+00, v24  }
0xf4: {  	[tilespmem:$0x330] =	vst v7;
	v1 =	vmul.f32 v1, v1;
	v22 =	vsub.f32 $1.000000000e+00, v49;
	v51 =	vmax.f32 v26, $0.0e+00  }
0xf5: {  	[tilespmem:$0x300] =	vst v4;
	v45 =	vld [tilespmem:$0x1B0];
	v50 =	vsub.f32 $1.000000000e+00, v48;
	v46 =	vmax.f32 v24, $0.0e+00;
	v19 =	vadd.f32 v19, v51  }
0xf6: {  	[tilespmem:$0x320] =	vst v6;
	v56 =	vsub.f32 $1.000000000e+00, v15;
	v54 =	vmax.f32 v22, $0.0e+00;
	v21 =	vadd.f32 v21, v46  }
0xf7: {  	[tilespmem:$0x390] =	vst v10;
	v58 =	vld [tilespmem:$0x200];
	v2 =	vmul.f32 v2, v2;
	v52 =	vmax.f32 v50, $0.0e+00;
	v55 =	vadd.f32 v19, v54  }
0xf8: {  	[tilespmem:$0x3B0] =	vst v12;
	v5 =	vmax.f32 v5, $0.0e+00;
	v7 =	vmax.f32 v56, $0.0e+00;
	v59 =	vld [tilespmem:$0x210];
	v4 =	vadd.f32 v21, v52  }
0xf9: {  	[tilespmem:$0x3A0] =	vst v11;
	v61 =	vmax.f32 v8, $0.0e+00;
	v1 =	vsub.f32 $1.000000000e+00, v1;
	v60 =	vld [tilespmem:$0x220];
	v6 =	vadd.f32 v55, v7  }
0xfa: {  	[tilespmem:$0x410] =	vst v20;
	v62 =	vld [tilespmem:$0x230];
	v16 =	vmul.f32 v45, v16;
	v2 =	vsub.f32 $1.000000000e+00, v2;
	v4 =	vadd.f32 v4, v5  }
0xfb: {  	[tilespmem:$0x400] =	vst v13;
	v1 =	vmax.f32 v1, $0.0e+00;
	v0 =	vadd.f32 v35, v0;
	v5 =	vadd.f32 v6, v61  }
0xfc: {  	[tilespmem:$0x420] =	vst v18;
	v3 =	vmul.f32 v58, v3;
	v2 =	vmax.f32 v2, $0.0e+00;
	v1 =	vadd.f32 v4, v1  }
0xfd: {  	[tilespmem:$0x430] =	vst v16;
	v0 =	vmul.f32 v59, v0;
	v2 =	vadd.f32 v5, v2  }
0xfe: {  	[tilespmem:$0x480] =	vst v3;
	v1 =	vmul.f32 v60, v1  }
0xff: {  	[tilespmem:$0x490] =	vst v0;
	v63 =	vmul.f32 v62, v2  }
0x100: {  	p0 =	sne.s32 s7, $0x1;
	[tilespmem:$0x4A0] =	vst v1  }
.Ltmp0:
0x101: {  	[tilespmem:$0x4B0] =	vst v63;
	(pc) =	sbr.rel @p0 .LBB2_1-.Ltmp0, $4  }
0x102: {  	[hbm4b:s6+s2] =	stream.linear.scatter [tilespmem:s11], [sflag:$0x1], $0x200, $0x38;
	[tilespmem:$0x500] =	vst v63  }
0x103: {  	_ =	swait.ge [sflag:s8], $0x200  }
0x104: {  	[sflag:s8] =	ssyncset.done $0x0  }
0x105: {  	s7 =	sadd.s32 $0xFFFFFFFF, s7;
	[sflag:s8] =	ssyncadd.s32 $0xFFFFFE00  }
0x106: {  	_ =	sfence.sel $0x180000  }
0x107: {  	[bflag:$0x0] =	sbarrier.arrive $0xFFFF  }
0x108: {  	p0 =	sne.s32 s1, $0x0;
	_ =	strace $0x90000047  }
0x109: {  	s0 =	sadd.s32 @!p0 $0x100000, s0;
	[bflag:$0x2] =	sbarrier.arrive $0xFFFF  }
0x10a: {  	[sflag:s0] =	ssyncadd.tile.s32 @!p0 $0x1;
	_ =	shalt  }
.Lfunc_end2:
_tile_overlayer_lowered:
.L_overlay_start_2:
0x10b: {  	(tag) =	ssettag $0x2  }
0x10c: {  	s0 =	rddreg [dreg:$0x0];
	s2 =	stileid.u32  }
0x10d: {  	s1 =	rddreg [dreg:$0x1];
	p0 =	sne.s32 s2, $0x0  }
0x10e: {  	s3 =	rddreg [dreg:$0x2];
	[bflag:$0x3] =	sbarrier.arrive $0xFFFF;
	s2 =	simm.s32 @!p0 $0x1C01  }
0x10f: {  	[timem:s3], [sflag:s2] =	dma.local @!p0 [hbm:s0], s1  }
0x110: {  	s0 =	simm.s32 @!p0 $0x1  }
0x111: {  	_ =	swait.ge @!p0 [sflag:s0], s1  }
0x112: {  	s1 =	ssub.s32 @!p0 $0x0, s1;
	[sflag:s0] =	ssyncset.done @!p0 $0x0  }
0x113: {  	[sflag:s0] =	ssyncadd.s32 @!p0 s1  }
0x114: {  	[bflag:$0x3] =	sbarrier.arrive $0xFFFF  }
0x115: {  	_ =	shalt  }

</sc_bundles>
